<compile_context>
chip_gen: v7x
topology: tpu7x:2x2x1
jax: 0.10.2.dev20260603
libtpu: 0.0.44.dev20260713+nightly
codegen_flags: <defaults>
</compile_context>

<pallas_src>
import functools

import jax
import jax.numpy as jnp
from jax import lax
from jax.experimental import pallas as pl
from jax.experimental.pallas import tpu as pltpu
from jax.experimental.pallas import tpu_sc as plsc

D_MODEL = 768
N_EXP = 64
NQ = N_EXP // 4
TEMP = 0.1
N_TOK = 32768
BT = 4096

_info = plsc.get_sparse_core_info()
_NC, _NS, _L = _info.num_cores, _info.num_subcores, _info.num_lanes
_NW = _NC * _NS
TOK_W = N_TOK // _NW
_GRP = TOK_W // _L
_UNROLL = 4
_SPANS = BT // TOK_W


def _enc(v, pos):
    return lax.bitcast_convert_type(
        (lax.bitcast_convert_type(v, jnp.int32) & -4) | pos, jnp.float32)


def _logits_body(x_ref, wt_ref, b_ref, logits_ref, qmax_ref, qsec_ref):
    logits = (
        jnp.dot(x_ref[...], wt_ref[...], preferred_element_type=jnp.float32)
        + b_ref[...][None, :]) / TEMP
    logits_ref[...] = logits
    lt = logits.T
    c0 = lt[0 * NQ:1 * NQ]
    c1 = lt[1 * NQ:2 * NQ]
    c2 = lt[2 * NQ:3 * NQ]
    c3 = lt[3 * NQ:4 * NQ]
    i32 = jnp.int32
    amax = jnp.maximum(c0, c2)
    amin = jnp.minimum(c0, c2)
    abit = jnp.where(c0 >= c2, i32(0), i32(2))
    bmax = jnp.maximum(c1, c3)
    bmin = jnp.minimum(c1, c3)
    bbit = jnp.where(c1 >= c3, i32(1), i32(3))
    awin = (amax > bmax) | ((amax == bmax) & (abit < bbit))
    qmax = jnp.where(awin, amax, bmax)
    qmaxp = jnp.where(awin, abit, bbit)
    lmax = jnp.where(awin, bmax, amax)
    lmaxp = jnp.where(awin, bbit, abit)
    wmin = jnp.where(awin, amin, bmin)
    wminp = jnp.where(awin, 2 - abit, 4 - bbit)
    sec_is_l = (lmax > wmin) | ((lmax == wmin) & (lmaxp < wminp))
    qsec = jnp.where(sec_is_l, lmax, wmin)
    qsecp = jnp.where(sec_is_l, lmaxp, wminp)
    qmax_ref[...] = _enc(qmax, qmaxp).reshape(NQ, _SPANS, TOK_W).transpose(1, 0, 2)
    qsec_ref[...] = _enc(qsec, qsecp).reshape(NQ, _SPANS, TOK_W).transpose(1, 0, 2)


_sc_mesh = plsc.VectorSubcoreMesh(core_axis_name="c", subcore_axis_name="s")


@functools.partial(
    pl.kernel,
    mesh=_sc_mesh,
    out_type=[
        jax.ShapeDtypeStruct((2, N_TOK), jnp.float32),
        jax.ShapeDtypeStruct((2, N_TOK), jnp.int32),
    ],
    scratch_types=[
        pltpu.VMEM((NQ, TOK_W), jnp.float32),
        pltpu.VMEM((NQ, TOK_W), jnp.float32),
        pltpu.VMEM((TOK_W,), jnp.float32),
        pltpu.VMEM((TOK_W,), jnp.float32),
        pltpu.VMEM((TOK_W,), jnp.int32),
        pltpu.VMEM((TOK_W,), jnp.int32),
    ],
)
def _sc_topk(qmax_hbm, qsec_hbm, probs_hbm, idx_hbm,
             qmax_v, qsec_v, p1_v, p2_v, i1_v, i2_v):
    wid = lax.axis_index("s") * _NC + lax.axis_index("c")
    base = wid * TOK_W
    pltpu.sync_copy(qmax_hbm.at[wid], qmax_v)
    pltpu.sync_copy(qsec_hbm.at[wid], qsec_v)

    neg = jnp.full((_L,), -jnp.inf, jnp.float32)
    zero = jnp.zeros((_L,), jnp.int32)
    zerof = jnp.zeros((_L,), jnp.float32)

    def super_group(sg, _):
        offs = [sg * (_UNROLL * _L) + g * _L for g in range(_UNROLL)]
        m1 = [neg] * _UNROLL
        m2 = [neg] * _UNROLL
        j1q = [zero] * _UNROLL
        j2q = [zero] * _UNROLL
        wsec = [zerof] * _UNROLL
        for q in range(NQ):
            qi = jnp.full((_L,), q, jnp.int32)
            for g in range(_UNROLL):
                v = qmax_v[q, pl.ds(offs[g], _L)]
                s = qsec_v[q, pl.ds(offs[g], _L)]
                gt1 = v > m1[g]
                lose = jnp.minimum(v, m1[g])
                gt2 = lose > m2[g]
                nj1 = jnp.where(gt1, qi, j1q[g])
                tjq = jnp.where(gt1, j1q[g], qi)
                j2q[g] = jnp.where(gt2, tjq, j2q[g])
                wsec[g] = jnp.where(gt1, s, wsec[g])
                m1[g] = jnp.maximum(v, m1[g])
                m2[g] = jnp.maximum(lose, m2[g])
                j1q[g] = nj1
        for g in range(_UNROLL):
            mi = lax.bitcast_convert_type(m1[g], jnp.int32)
            m1v = lax.bitcast_convert_type(mi & -4, jnp.float32)
            j1 = j1q[g] + (mi & 3) * NQ
            wi = lax.bitcast_convert_type(wsec[g], jnp.int32)
            wsecv = lax.bitcast_convert_type(wi & -4, jnp.float32)
            wsecidx = j1q[g] + (wi & 3) * NQ
            ri = lax.bitcast_convert_type(m2[g], jnp.int32)
            rmaxv = lax.bitcast_convert_type(ri & -4, jnp.float32)
            rmaxidx = j2q[g] + (ri & 3) * NQ
            gtw = wsecv > rmaxv
            eqw = wsecv == rmaxv
            m2v = jnp.maximum(wsecv, rmaxv)
            j2 = jnp.where(
                gtw, wsecidx,
                jnp.where(eqw, jnp.minimum(wsecidx, rmaxidx), rmaxidx))
            e2 = jnp.exp(m2v - m1v)
            p1 = 1.0 / (1.0 + e2)
            p1_v[pl.ds(offs[g], _L)] = p1
            p2_v[pl.ds(offs[g], _L)] = e2 * p1
            i1_v[pl.ds(offs[g], _L)] = j1
            i2_v[pl.ds(offs[g], _L)] = j2
        return 0

    lax.fori_loop(0, _GRP // _UNROLL, super_group, 0)

    pltpu.sync_copy(p1_v, probs_hbm.at[0, pl.ds(base, TOK_W)])
    pltpu.sync_copy(p2_v, probs_hbm.at[1, pl.ds(base, TOK_W)])
    pltpu.sync_copy(i1_v, idx_hbm.at[0, pl.ds(base, TOK_W)])
    pltpu.sync_copy(i2_v, idx_hbm.at[1, pl.ds(base, TOK_W)])


@jax.jit
def kernel(x, W, b):
    n_tokens = x.shape[0]
    wt = W.T
    logits, qmax, qsec = pl.pallas_call(
        _logits_body,
        grid=(n_tokens // BT,),
        in_specs=[
            pl.BlockSpec((BT, D_MODEL), lambda i: (i, 0)),
            pl.BlockSpec((D_MODEL, N_EXP), lambda i: (0, 0)),
            pl.BlockSpec((N_EXP,), lambda i: (0,)),
        ],
        out_specs=[
            pl.BlockSpec((BT, N_EXP), lambda i: (i, 0)),
            pl.BlockSpec((_SPANS, NQ, TOK_W), lambda i: (i, 0, 0)),
            pl.BlockSpec((_SPANS, NQ, TOK_W), lambda i: (i, 0, 0)),
        ],
        out_shape=[
            jax.ShapeDtypeStruct((n_tokens, N_EXP), jnp.float32),
            jax.ShapeDtypeStruct((_NW, NQ, TOK_W), jnp.float32),
            jax.ShapeDtypeStruct((_NW, NQ, TOK_W), jnp.float32),
        ],
    )(x, wt, b)
    probs_t, idx_t = _sc_topk(qmax, qsec)
    return (logits, probs_t.T, idx_t.T)

# --- scband reference (transcript-rebuilt; emitter-appended) ---
"""Pipeline reference for scband-router-18476949307969 (READ-ONLY COPY).

The authoritative reference and input builder live on the scoring server;
editing this copy changes nothing except your own understanding.
"""

import jax, jax.numpy as jnp
import numpy as np

D_MODEL = 768
NUM_EXPERTS = 64
TOP_K = 2
TEMPERATURE = 0.1
N_TOKENS = 32768


def setup_inputs(seed: int = 0) -> dict:
    key = jax.random.key(seed)
    k1, k2 = jax.random.split(key, 2)
    x = jax.random.normal(k1, (N_TOKENS, D_MODEL), dtype=jnp.float32)
    # nn.Linear(input_size, num_experts): weight [num_experts, input_size], bias [num_experts]
    W = jax.random.normal(k2, (NUM_EXPERTS, D_MODEL), dtype=jnp.float32) * (1.0 / np.sqrt(D_MODEL))
    b = jnp.zeros((NUM_EXPERTS,), dtype=jnp.float32)
    return {"x": x, "W": W, "b": b}


def reference(x, W, b):
    # routing_logits = Linear(x) / temperature
    routing_logits = (x @ W.T + b) / TEMPERATURE
    routing_probs = jax.nn.softmax(routing_logits, axis=-1)
    top_k_probs, top_k_indices = jax.lax.top_k(routing_probs, TOP_K)
    top_k_probs_normalized = top_k_probs / jnp.sum(top_k_probs, axis=-1, keepdims=True)
    return (routing_logits, top_k_probs_normalized, top_k_indices)

if __name__ == "__main__":
    import jax
    _d = setup_inputs()
    print(jax.jit(kernel)(*tuple(_d.values())))

</pallas_src>

<mosaic_0001>
#map = affine_map<(d0, d1) -> (0, 0, 0)>
#map1 = affine_map<(d0, d1) -> (0, 0)>
module attributes {stable_mosaic.version = 14 : i64} {
  func.func @_sc_topk(%arg0: i32, %arg1: i32, %arg2: memref<32x16x1024xf32, #tpu.memory_space<hbm>>, %arg3: memref<32x16x1024xf32, #tpu.memory_space<hbm>>, %arg4: memref<2x32768xf32, #tpu.memory_space<hbm>>, %arg5: memref<2x32768xi32, #tpu.memory_space<hbm>>, %arg6: memref<16x1024xf32, #tpu.memory_space<vmem>>, %arg7: memref<16x1024xf32, #tpu.memory_space<vmem>>, %arg8: memref<1024xf32, #tpu.memory_space<vmem>>, %arg9: memref<1024xf32, #tpu.memory_space<vmem>>, %arg10: memref<1024xi32, #tpu.memory_space<vmem>>, %arg11: memref<1024xi32, #tpu.memory_space<vmem>>) attributes {dimension_semantics = [#tpu.dimension_semantics<core_parallel>, #tpu.dimension_semantics<subcore_parallel>], iteration_bounds = array<i64: 2, 16>, scalar_prefetch = 0 : i64, scratch_operands = 6 : i64, tpu.core_type = #tpu.core_type<sc_vector_subcore>, window_params = [{transform_indices = #map}, {transform_indices = #map}, {transform_indices = #map1}, {transform_indices = #map1}]} {
    %mul3A = arith.constant 2 : i32
    %mul3A_0 = arith.muli %arg1, %mul3A : i32
    %add3A = arith.addi %mul3A_0, %arg0 : i32
    %mul3A_1 = arith.constant 1024 : i32
    %mul3A_2 = arith.muli %add3A, %mul3A_1 : i32
    "tpu.region"() ({
      %run_scoped3A_17 = tpu.sem_alloc : memref<!tpu.dma_semaphore, #tpu.memory_space<semaphore_mem>>
      %dma_start3A = arith.constant 0 : i32
      %dma_start3A_18 = arith.constant 0 : i32
      %dma_start3A_19 = tpu.memref_slice %arg2[%add3A, %dma_start3A, %dma_start3A_18] : memref<32x16x1024xf32, #tpu.memory_space<hbm>> -> memref<1x16x1024xf32, #tpu.memory_space<hbm>>
      %dma_start3A_20 = tpu.memref_squeeze %dma_start3A_19 : memref<1x16x1024xf32, #tpu.memory_space<hbm>> -> memref<16x1024xf32, #tpu.memory_space<hbm>>
      %dma_start3A_21 = arith.constant 0 : i32
      %dma_start3A_22 = arith.constant 0 : i32
      %dma_start3A_23 = tpu.memref_slice %arg2[%add3A, %dma_start3A_21, %dma_start3A_22] : memref<32x16x1024xf32, #tpu.memory_space<hbm>> -> memref<1x16x1024xf32, #tpu.memory_space<hbm>>
      %dma_start3A_24 = tpu.memref_squeeze %dma_start3A_23 : memref<1x16x1024xf32, #tpu.memory_space<hbm>> -> memref<16x1024xf32, #tpu.memory_space<hbm>>
      tpu.enqueue_dma source(%dma_start3A_24 : memref<16x1024xf32, #tpu.memory_space<hbm>>) target(%arg6 : memref<16x1024xf32, #tpu.memory_space<vmem>>) target_semaphore(%run_scoped3A_17 : memref<!tpu.dma_semaphore, #tpu.memory_space<semaphore_mem>>)
      %dma_wait3A = arith.constant 0 : i32
      %dma_wait3A_25 = arith.constant 0 : i32
      %dma_wait3A_26 = tpu.memref_slice %arg2[%add3A, %dma_wait3A, %dma_wait3A_25] : memref<32x16x1024xf32, #tpu.memory_space<hbm>> -> memref<1x16x1024xf32, #tpu.memory_space<hbm>>
      %dma_wait3A_27 = tpu.memref_squeeze %dma_wait3A_26 : memref<1x16x1024xf32, #tpu.memory_space<hbm>> -> memref<16x1024xf32, #tpu.memory_space<hbm>>
      %dma_wait3A_28 = arith.constant 0 : i32
      %dma_wait3A_29 = arith.constant 0 : i32
      %dma_wait3A_30 = tpu.memref_slice %arg2[%add3A, %dma_wait3A_28, %dma_wait3A_29] : memref<32x16x1024xf32, #tpu.memory_space<hbm>> -> memref<1x16x1024xf32, #tpu.memory_space<hbm>>
      %dma_wait3A_31 = tpu.memref_squeeze %dma_wait3A_30 : memref<1x16x1024xf32, #tpu.memory_space<hbm>> -> memref<16x1024xf32, #tpu.memory_space<hbm>>
      tpu.wait_dma2 semaphore(%run_scoped3A_17 : memref<!tpu.dma_semaphore, #tpu.memory_space<semaphore_mem>>) src(%dma_wait3A_31 : memref<16x1024xf32, #tpu.memory_space<hbm>>) dst(%arg6 : memref<16x1024xf32, #tpu.memory_space<vmem>>)
      tpu.yield
    }) : () -> ()
    "tpu.region"() ({
      %run_scoped3A_17 = tpu.sem_alloc : memref<!tpu.dma_semaphore, #tpu.memory_space<semaphore_mem>>
      %dma_start3A = arith.constant 0 : i32
      %dma_start3A_18 = arith.constant 0 : i32
      %dma_start3A_19 = tpu.memref_slice %arg3[%add3A, %dma_start3A, %dma_start3A_18] : memref<32x16x1024xf32, #tpu.memory_space<hbm>> -> memref<1x16x1024xf32, #tpu.memory_space<hbm>>
      %dma_start3A_20 = tpu.memref_squeeze %dma_start3A_19 : memref<1x16x1024xf32, #tpu.memory_space<hbm>> -> memref<16x1024xf32, #tpu.memory_space<hbm>>
      %dma_start3A_21 = arith.constant 0 : i32
      %dma_start3A_22 = arith.constant 0 : i32
      %dma_start3A_23 = tpu.memref_slice %arg3[%add3A, %dma_start3A_21, %dma_start3A_22] : memref<32x16x1024xf32, #tpu.memory_space<hbm>> -> memref<1x16x1024xf32, #tpu.memory_space<hbm>>
      %dma_start3A_24 = tpu.memref_squeeze %dma_start3A_23 : memref<1x16x1024xf32, #tpu.memory_space<hbm>> -> memref<16x1024xf32, #tpu.memory_space<hbm>>
      tpu.enqueue_dma source(%dma_start3A_24 : memref<16x1024xf32, #tpu.memory_space<hbm>>) target(%arg7 : memref<16x1024xf32, #tpu.memory_space<vmem>>) target_semaphore(%run_scoped3A_17 : memref<!tpu.dma_semaphore, #tpu.memory_space<semaphore_mem>>)
      %dma_wait3A = arith.constant 0 : i32
      %dma_wait3A_25 = arith.constant 0 : i32
      %dma_wait3A_26 = tpu.memref_slice %arg3[%add3A, %dma_wait3A, %dma_wait3A_25] : memref<32x16x1024xf32, #tpu.memory_space<hbm>> -> memref<1x16x1024xf32, #tpu.memory_space<hbm>>
      %dma_wait3A_27 = tpu.memref_squeeze %dma_wait3A_26 : memref<1x16x1024xf32, #tpu.memory_space<hbm>> -> memref<16x1024xf32, #tpu.memory_space<hbm>>
      %dma_wait3A_28 = arith.constant 0 : i32
      %dma_wait3A_29 = arith.constant 0 : i32
      %dma_wait3A_30 = tpu.memref_slice %arg3[%add3A, %dma_wait3A_28, %dma_wait3A_29] : memref<32x16x1024xf32, #tpu.memory_space<hbm>> -> memref<1x16x1024xf32, #tpu.memory_space<hbm>>
      %dma_wait3A_31 = tpu.memref_squeeze %dma_wait3A_30 : memref<1x16x1024xf32, #tpu.memory_space<hbm>> -> memref<16x1024xf32, #tpu.memory_space<hbm>>
      tpu.wait_dma2 semaphore(%run_scoped3A_17 : memref<!tpu.dma_semaphore, #tpu.memory_space<semaphore_mem>>) src(%dma_wait3A_31 : memref<16x1024xf32, #tpu.memory_space<hbm>>) dst(%arg7 : memref<16x1024xf32, #tpu.memory_space<vmem>>)
      tpu.yield
    }) : () -> ()
    %broadcast_in_dim3A = arith.constant 0xFF800000 : f32
    %broadcast_in_dim3A_3 = vector.broadcast %broadcast_in_dim3A : f32 to vector<16xf32>
    %broadcast_in_dim3A_4 = arith.constant 0 : i32
    %broadcast_in_dim3A_5 = vector.broadcast %broadcast_in_dim3A_4 : i32 to vector<16xi32>
    %broadcast_in_dim3A_6 = arith.constant 0.000000e+00 : f32
    %broadcast_in_dim3A_7 = vector.broadcast %broadcast_in_dim3A_6 : f32 to vector<16xf32>
    %scan3A = arith.constant 0 : i32
    %scan3A_8 = arith.constant 0 : i32
    %scan3A_9 = arith.constant 16 : i32
    %scan3A_10 = arith.addi %scan3A_8, %scan3A_9 : i32
    %scan3A_11 = arith.constant 1 : i32
    %scan3A_12 = scf.for %scan3A_17 = %scan3A_8 to %scan3A_10 step %scan3A_11 iter_args(%scan3A_18 = %scan3A) -> (i32)  : i32 {
      %mul3A_19 = arith.constant 64 : i32
      %mul3A_20 = arith.muli %scan3A_17, %mul3A_19 : i32
      %add3A_21 = arith.constant 0 : i32
      %add3A_22 = arith.addi %mul3A_20, %add3A_21 : i32
      %mul3A_23 = arith.constant 64 : i32
      %mul3A_24 = arith.muli %scan3A_17, %mul3A_23 : i32
      %add3A_25 = arith.constant 16 : i32
      %add3A_26 = arith.addi %mul3A_24, %add3A_25 : i32
      %mul3A_27 = arith.constant 64 : i32
      %mul3A_28 = arith.muli %scan3A_17, %mul3A_27 : i32
      %add3A_29 = arith.constant 32 : i32
      %add3A_30 = arith.addi %mul3A_28, %add3A_29 : i32
      %mul3A_31 = arith.constant 64 : i32
      %mul3A_32 = arith.muli %scan3A_17, %mul3A_31 : i32
      %add3A_33 = arith.constant 48 : i32
      %add3A_34 = arith.addi %mul3A_32, %add3A_33 : i32
      %broadcast_in_dim3A_35 = arith.constant 0 : i32
      %broadcast_in_dim3A_36 = vector.broadcast %broadcast_in_dim3A_35 : i32 to vector<16xi32>
      %get3A = arith.constant 0 : i32
      %get3A_37 = arith.index_cast %get3A : i32 to index
      %get3A_38 = arith.index_cast %add3A_22 : i32 to index
      %get3A_39 = tpu.vector_load %arg6[%get3A_37, %get3A_38] {strides = array<i32>} : memref<16x1024xf32, #tpu.memory_space<vmem>>, vector<1x16xf32>,
      %get3A_40 = vector.shape_cast %get3A_39 : vector<1x16xf32> to vector<16xf32>
      %get3A_41 = arith.constant 0 : i32
      %get3A_42 = arith.index_cast %get3A_41 : i32 to index
      %get3A_43 = arith.index_cast %add3A_22 : i32 to index
      %get3A_44 = tpu.vector_load %arg7[%get3A_42, %get3A_43] {strides = array<i32>} : memref<16x1024xf32, #tpu.memory_space<vmem>>, vector<1x16xf32>,
      %get3A_45 = vector.shape_cast %get3A_44 : vector<1x16xf32> to vector<16xf32>
      %gt3A = arith.cmpf ogt, %get3A_40, %broadcast_in_dim3A_3 : vector<16xf32>
      %min3A = arith.minimumf %get3A_40, %broadcast_in_dim3A_3 : vector<16xf32>
      %gt3A_46 = arith.cmpf ogt, %min3A, %broadcast_in_dim3A_3 : vector<16xf32>
      %select_n3A = arith.select %gt3A, %broadcast_in_dim3A_36, %broadcast_in_dim3A_5 : vector<16xi1>, vector<16xi32>
      %select_n3A_47 = arith.select %gt3A, %broadcast_in_dim3A_5, %broadcast_in_dim3A_36 : vector<16xi1>, vector<16xi32>
      %select_n3A_48 = arith.select %gt3A_46, %select_n3A_47, %broadcast_in_dim3A_5 : vector<16xi1>, vector<16xi32>
      %select_n3A_49 = arith.select %gt3A, %get3A_45, %broadcast_in_dim3A_7 : vector<16xi1>, vector<16xf32>
      %max3A = arith.maximumf %get3A_40, %broadcast_in_dim3A_3 : vector<16xf32>
      %max3A_50 = arith.maximumf %min3A, %broadcast_in_dim3A_3 : vector<16xf32>
      %get3A_51 = arith.constant 0 : i32
      %get3A_52 = arith.index_cast %get3A_51 : i32 to index
      %get3A_53 = arith.index_cast %add3A_26 : i32 to index
      %get3A_54 = tpu.vector_load %arg6[%get3A_52, %get3A_53] {strides = array<i32>} : memref<16x1024xf32, #tpu.memory_space<vmem>>, vector<1x16xf32>,
      %get3A_55 = vector.shape_cast %get3A_54 : vector<1x16xf32> to vector<16xf32>
      %get3A_56 = arith.constant 0 : i32
      %get3A_57 = arith.index_cast %get3A_56 : i32 to index
      %get3A_58 = arith.index_cast %add3A_26 : i32 to index
      %get3A_59 = tpu.vector_load %arg7[%get3A_57, %get3A_58] {strides = array<i32>} : memref<16x1024xf32, #tpu.memory_space<vmem>>, vector<1x16xf32>,
      %get3A_60 = vector.shape_cast %get3A_59 : vector<1x16xf32> to vector<16xf32>
      %gt3A_61 = arith.cmpf ogt, %get3A_55, %broadcast_in_dim3A_3 : vector<16xf32>
      %min3A_62 = arith.minimumf %get3A_55, %broadcast_in_dim3A_3 : vector<16xf32>
      %gt3A_63 = arith.cmpf ogt, %min3A_62, %broadcast_in_dim3A_3 : vector<16xf32>
      %select_n3A_64 = arith.select %gt3A_61, %broadcast_in_dim3A_36, %broadcast_in_dim3A_5 : vector<16xi1>, vector<16xi32>
      %select_n3A_65 = arith.select %gt3A_61, %broadcast_in_dim3A_5, %broadcast_in_dim3A_36 : vector<16xi1>, vector<16xi32>
      %select_n3A_66 = arith.select %gt3A_63, %select_n3A_65, %broadcast_in_dim3A_5 : vector<16xi1>, vector<16xi32>
      %select_n3A_67 = arith.select %gt3A_61, %get3A_60, %broadcast_in_dim3A_7 : vector<16xi1>, vector<16xf32>
      %max3A_68 = arith.maximumf %get3A_55, %broadcast_in_dim3A_3 : vector<16xf32>
      %max3A_69 = arith.maximumf %min3A_62, %broadcast_in_dim3A_3 : vector<16xf32>
      %get3A_70 = arith.constant 0 : i32
      %get3A_71 = arith.index_cast %get3A_70 : i32 to index
      %get3A_72 = arith.index_cast %add3A_30 : i32 to index
      %get3A_73 = tpu.vector_load %arg6[%get3A_71, %get3A_72] {strides = array<i32>} : memref<16x1024xf32, #tpu.memory_space<vmem>>, vector<1x16xf32>,
      %get3A_74 = vector.shape_cast %get3A_73 : vector<1x16xf32> to vector<16xf32>
      %get3A_75 = arith.constant 0 : i32
      %get3A_76 = arith.index_cast %get3A_75 : i32 to index
      %get3A_77 = arith.index_cast %add3A_30 : i32 to index
      %get3A_78 = tpu.vector_load %arg7[%get3A_76, %get3A_77] {strides = array<i32>} : memref<16x1024xf32, #tpu.memory_space<vmem>>, vector<1x16xf32>,
      %get3A_79 = vector.shape_cast %get3A_78 : vector<1x16xf32> to vector<16xf32>
      %gt3A_80 = arith.cmpf ogt, %get3A_74, %broadcast_in_dim3A_3 : vector<16xf32>
      %min3A_81 = arith.minimumf %get3A_74, %broadcast_in_dim3A_3 : vector<16xf32>
      %gt3A_82 = arith.cmpf ogt, %min3A_81, %broadcast_in_dim3A_3 : vector<16xf32>
      %select_n3A_83 = arith.select %gt3A_80, %broadcast_in_dim3A_36, %broadcast_in_dim3A_5 : vector<16xi1>, vector<16xi32>
      %select_n3A_84 = arith.select %gt3A_80, %broadcast_in_dim3A_5, %broadcast_in_dim3A_36 : vector<16xi1>, vector<16xi32>
      %select_n3A_85 = arith.select %gt3A_82, %select_n3A_84, %broadcast_in_dim3A_5 : vector<16xi1>, vector<16xi32>
      %select_n3A_86 = arith.select %gt3A_80, %get3A_79, %broadcast_in_dim3A_7 : vector<16xi1>, vector<16xf32>
      %max3A_87 = arith.maximumf %get3A_74, %broadcast_in_dim3A_3 : vector<16xf32>
      %max3A_88 = arith.maximumf %min3A_81, %broadcast_in_dim3A_3 : vector<16xf32>
      %get3A_89 = arith.constant 0 : i32
      %get3A_90 = arith.index_cast %get3A_89 : i32 to index
      %get3A_91 = arith.index_cast %add3A_34 : i32 to index
      %get3A_92 = tpu.vector_load %arg6[%get3A_90, %get3A_91] {strides = array<i32>} : memref<16x1024xf32, #tpu.memory_space<vmem>>, vector<1x16xf32>,
      %get3A_93 = vector.shape_cast %get3A_92 : vector<1x16xf32> to vector<16xf32>
      %get3A_94 = arith.constant 0 : i32
      %get3A_95 = arith.index_cast %get3A_94 : i32 to index
      %get3A_96 = arith.index_cast %add3A_34 : i32 to index
      %get3A_97 = tpu.vector_load %arg7[%get3A_95, %get3A_96] {strides = array<i32>} : memref<16x1024xf32, #tpu.memory_space<vmem>>, vector<1x16xf32>,
      %get3A_98 = vector.shape_cast %get3A_97 : vector<1x16xf32> to vector<16xf32>
      %gt3A_99 = arith.cmpf ogt, %get3A_93, %broadcast_in_dim3A_3 : vector<16xf32>
      %min3A_100 = arith.minimumf %get3A_93, %broadcast_in_dim3A_3 : vector<16xf32>
      %gt3A_101 = arith.cmpf ogt, %min3A_100, %broadcast_in_dim3A_3 : vector<16xf32>
      %select_n3A_102 = arith.select %gt3A_99, %broadcast_in_dim3A_36, %broadcast_in_dim3A_5 : vector<16xi1>, vector<16xi32>
      %select_n3A_103 = arith.select %gt3A_99, %broadcast_in_dim3A_5, %broadcast_in_dim3A_36 : vector<16xi1>, vector<16xi32>
      %select_n3A_104 = arith.select %gt3A_101, %select_n3A_103, %broadcast_in_dim3A_5 : vector<16xi1>, vector<16xi32>
      %select_n3A_105 = arith.select %gt3A_99, %get3A_98, %broadcast_in_dim3A_7 : vector<16xi1>, vector<16xf32>
      %max3A_106 = arith.maximumf %get3A_93, %broadcast_in_dim3A_3 : vector<16xf32>
      %max3A_107 = arith.maximumf %min3A_100, %broadcast_in_dim3A_3 : vector<16xf32>
      %broadcast_in_dim3A_108 = arith.constant 1 : i32
      %broadcast_in_dim3A_109 = vector.broadcast %broadcast_in_dim3A_108 : i32 to vector<16xi32>
      %get3A_110 = arith.constant 1 : i32
      %get3A_111 = arith.index_cast %get3A_110 : i32 to index
      %get3A_112 = arith.index_cast %add3A_22 : i32 to index
      %get3A_113 = tpu.vector_load %arg6[%get3A_111, %get3A_112] {strides = array<i32>} : memref<16x1024xf32, #tpu.memory_space<vmem>>, vector<1x16xf32>,
      %get3A_114 = vector.shape_cast %get3A_113 : vector<1x16xf32> to vector<16xf32>
      %get3A_115 = arith.constant 1 : i32
      %get3A_116 = arith.index_cast %get3A_115 : i32 to index
      %get3A_117 = arith.index_cast %add3A_22 : i32 to index
      %get3A_118 = tpu.vector_load %arg7[%get3A_116, %get3A_117] {strides = array<i32>} : memref<16x1024xf32, #tpu.memory_space<vmem>>, vector<1x16xf32>,
      %get3A_119 = vector.shape_cast %get3A_118 : vector<1x16xf32> to vector<16xf32>
      %gt3A_120 = arith.cmpf ogt, %get3A_114, %max3A : vector<16xf32>
      %min3A_121 = arith.minimumf %get3A_114, %max3A : vector<16xf32>
      %gt3A_122 = arith.cmpf ogt, %min3A_121, %max3A_50 : vector<16xf32>
      %select_n3A_123 = arith.select %gt3A_120, %broadcast_in_dim3A_109, %select_n3A : vector<16xi1>, vector<16xi32>
      %select_n3A_124 = arith.select %gt3A_120, %select_n3A, %broadcast_in_dim3A_109 : vector<16xi1>, vector<16xi32>
      %select_n3A_125 = arith.select %gt3A_122, %select_n3A_124, %select_n3A_48 : vector<16xi1>, vector<16xi32>
      %select_n3A_126 = arith.select %gt3A_120, %get3A_119, %select_n3A_49 : vector<16xi1>, vector<16xf32>
      %max3A_127 = arith.maximumf %get3A_114, %max3A : vector<16xf32>
      %max3A_128 = arith.maximumf %min3A_121, %max3A_50 : vector<16xf32>
      %get3A_129 = arith.constant 1 : i32
      %get3A_130 = arith.index_cast %get3A_129 : i32 to index
      %get3A_131 = arith.index_cast %add3A_26 : i32 to index
      %get3A_132 = tpu.vector_load %arg6[%get3A_130, %get3A_131] {strides = array<i32>} : memref<16x1024xf32, #tpu.memory_space<vmem>>, vector<1x16xf32>,
      %get3A_133 = vector.shape_cast %get3A_132 : vector<1x16xf32> to vector<16xf32>
      %get3A_134 = arith.constant 1 : i32
      %get3A_135 = arith.index_cast %get3A_134 : i32 to index
      %get3A_136 = arith.index_cast %add3A_26 : i32 to index
      %get3A_137 = tpu.vector_load %arg7[%get3A_135, %get3A_136] {strides = array<i32>} : memref<16x1024xf32, #tpu.memory_space<vmem>>, vector<1x16xf32>,
      %get3A_138 = vector.shape_cast %get3A_137 : vector<1x16xf32> to vector<16xf32>
      %gt3A_139 = arith.cmpf ogt, %get3A_133, %max3A_68 : vector<16xf32>
      %min3A_140 = arith.minimumf %get3A_133, %max3A_68 : vector<16xf32>
      %gt3A_141 = arith.cmpf ogt, %min3A_140, %max3A_69 : vector<16xf32>
      %select_n3A_142 = arith.select %gt3A_139, %broadcast_in_dim3A_109, %select_n3A_64 : vector<16xi1>, vector<16xi32>
      %select_n3A_143 = arith.select %gt3A_139, %select_n3A_64, %broadcast_in_dim3A_109 : vector<16xi1>, vector<16xi32>
      %select_n3A_144 = arith.select %gt3A_141, %select_n3A_143, %select_n3A_66 : vector<16xi1>, vector<16xi32>
      %select_n3A_145 = arith.select %gt3A_139, %get3A_138, %select_n3A_67 : vector<16xi1>, vector<16xf32>
      %max3A_146 = arith.maximumf %get3A_133, %max3A_68 : vector<16xf32>
      %max3A_147 = arith.maximumf %min3A_140, %max3A_69 : vector<16xf32>
      %get3A_148 = arith.constant 1 : i32
      %get3A_149 = arith.index_cast %get3A_148 : i32 to index
      %get3A_150 = arith.index_cast %add3A_30 : i32 to index
      %get3A_151 = tpu.vector_load %arg6[%get3A_149, %get3A_150] {strides = array<i32>} : memref<16x1024xf32, #tpu.memory_space<vmem>>, vector<1x16xf32>,
      %get3A_152 = vector.shape_cast %get3A_151 : vector<1x16xf32> to vector<16xf32>
      %get3A_153 = arith.constant 1 : i32
      %get3A_154 = arith.index_cast %get3A_153 : i32 to index
      %get3A_155 = arith.index_cast %add3A_30 : i32 to index
      %get3A_156 = tpu.vector_load %arg7[%get3A_154, %get3A_155] {strides = array<i32>} : memref<16x1024xf32, #tpu.memory_space<vmem>>, vector<1x16xf32>,
      %get3A_157 = vector.shape_cast %get3A_156 : vector<1x16xf32> to vector<16xf32>
      %gt3A_158 = arith.cmpf ogt, %get3A_152, %max3A_87 : vector<16xf32>
      %min3A_159 = arith.minimumf %get3A_152, %max3A_87 : vector<16xf32>
      %gt3A_160 = arith.cmpf ogt, %min3A_159, %max3A_88 : vector<16xf32>
      %select_n3A_161 = arith.select %gt3A_158, %broadcast_in_dim3A_109, %select_n3A_83 : vector<16xi1>, vector<16xi32>
      %select_n3A_162 = arith.select %gt3A_158, %select_n3A_83, %broadcast_in_dim3A_109 : vector<16xi1>, vector<16xi32>
      %select_n3A_163 = arith.select %gt3A_160, %select_n3A_162, %select_n3A_85 : vector<16xi1>, vector<16xi32>
      %select_n3A_164 = arith.select %gt3A_158, %get3A_157, %select_n3A_86 : vector<16xi1>, vector<16xf32>
      %max3A_165 = arith.maximumf %get3A_152, %max3A_87 : vector<16xf32>
      %max3A_166 = arith.maximumf %min3A_159, %max3A_88 : vector<16xf32>
      %get3A_167 = arith.constant 1 : i32
      %get3A_168 = arith.index_cast %get3A_167 : i32 to index
      %get3A_169 = arith.index_cast %add3A_34 : i32 to index
      %get3A_170 = tpu.vector_load %arg6[%get3A_168, %get3A_169] {strides = array<i32>} : memref<16x1024xf32, #tpu.memory_space<vmem>>, vector<1x16xf32>,
      %get3A_171 = vector.shape_cast %get3A_170 : vector<1x16xf32> to vector<16xf32>
      %get3A_172 = arith.constant 1 : i32
      %get3A_173 = arith.index_cast %get3A_172 : i32 to index
      %get3A_174 = arith.index_cast %add3A_34 : i32 to index
      %get3A_175 = tpu.vector_load %arg7[%get3A_173, %get3A_174] {strides = array<i32>} : memref<16x1024xf32, #tpu.memory_space<vmem>>, vector<1x16xf32>,
      %get3A_176 = vector.shape_cast %get3A_175 : vector<1x16xf32> to vector<16xf32>
      %gt3A_177 = arith.cmpf ogt, %get3A_171, %max3A_106 : vector<16xf32>
      %min3A_178 = arith.minimumf %get3A_171, %max3A_106 : vector<16xf32>
      %gt3A_179 = arith.cmpf ogt, %min3A_178, %max3A_107 : vector<16xf32>
      %select_n3A_180 = arith.select %gt3A_177, %broadcast_in_dim3A_109, %select_n3A_102 : vector<16xi1>, vector<16xi32>
      %select_n3A_181 = arith.select %gt3A_177, %select_n3A_102, %broadcast_in_dim3A_109 : vector<16xi1>, vector<16xi32>
      %select_n3A_182 = arith.select %gt3A_179, %select_n3A_181, %select_n3A_104 : vector<16xi1>, vector<16xi32>
      %select_n3A_183 = arith.select %gt3A_177, %get3A_176, %select_n3A_105 : vector<16xi1>, vector<16xf32>
      %max3A_184 = arith.maximumf %get3A_171, %max3A_106 : vector<16xf32>
      %max3A_185 = arith.maximumf %min3A_178, %max3A_107 : vector<16xf32>
      %broadcast_in_dim3A_186 = arith.constant 2 : i32
      %broadcast_in_dim3A_187 = vector.broadcast %broadcast_in_dim3A_186 : i32 to vector<16xi32>
      %get3A_188 = arith.constant 2 : i32
      %get3A_189 = arith.index_cast %get3A_188 : i32 to index
      %get3A_190 = arith.index_cast %add3A_22 : i32 to index
      %get3A_191 = tpu.vector_load %arg6[%get3A_189, %get3A_190] {strides = array<i32>} : memref<16x1024xf32, #tpu.memory_space<vmem>>, vector<1x16xf32>,
      %get3A_192 = vector.shape_cast %get3A_191 : vector<1x16xf32> to vector<16xf32>
      %get3A_193 = arith.constant 2 : i32
      %get3A_194 = arith.index_cast %get3A_193 : i32 to index
      %get3A_195 = arith.index_cast %add3A_22 : i32 to index
      %get3A_196 = tpu.vector_load %arg7[%get3A_194, %get3A_195] {strides = array<i32>} : memref<16x1024xf32, #tpu.memory_space<vmem>>, vector<1x16xf32>,
      %get3A_197 = vector.shape_cast %get3A_196 : vector<1x16xf32> to vector<16xf32>
      %gt3A_198 = arith.cmpf ogt, %get3A_192, %max3A_127 : vector<16xf32>
      %min3A_199 = arith.minimumf %get3A_192, %max3A_127 : vector<16xf32>
      %gt3A_200 = arith.cmpf ogt, %min3A_199, %max3A_128 : vector<16xf32>
      %select_n3A_201 = arith.select %gt3A_198, %broadcast_in_dim3A_187, %select_n3A_123 : vector<16xi1>, vector<16xi32>
      %select_n3A_202 = arith.select %gt3A_198, %select_n3A_123, %broadcast_in_dim3A_187 : vector<16xi1>, vector<16xi32>
      %select_n3A_203 = arith.select %gt3A_200, %select_n3A_202, %select_n3A_125 : vector<16xi1>, vector<16xi32>
      %select_n3A_204 = arith.select %gt3A_198, %get3A_197, %select_n3A_126 : vector<16xi1>, vector<16xf32>
      %max3A_205 = arith.maximumf %get3A_192, %max3A_127 : vector<16xf32>
      %max3A_206 = arith.maximumf %min3A_199, %max3A_128 : vector<16xf32>
      %get3A_207 = arith.constant 2 : i32
      %get3A_208 = arith.index_cast %get3A_207 : i32 to index
      %get3A_209 = arith.index_cast %add3A_26 : i32 to index
      %get3A_210 = tpu.vector_load %arg6[%get3A_208, %get3A_209] {strides = array<i32>} : memref<16x1024xf32, #tpu.memory_space<vmem>>, vector<1x16xf32>,
      %get3A_211 = vector.shape_cast %get3A_210 : vector<1x16xf32> to vector<16xf32>
      %get3A_212 = arith.constant 2 : i32
      %get3A_213 = arith.index_cast %get3A_212 : i32 to index
      %get3A_214 = arith.index_cast %add3A_26 : i32 to index
      %get3A_215 = tpu.vector_load %arg7[%get3A_213, %get3A_214] {strides = array<i32>} : memref<16x1024xf32, #tpu.memory_space<vmem>>, vector<1x16xf32>,
      %get3A_216 = vector.shape_cast %get3A_215 : vector<1x16xf32> to vector<16xf32>
      %gt3A_217 = arith.cmpf ogt, %get3A_211, %max3A_146 : vector<16xf32>
      %min3A_218 = arith.minimumf %get3A_211, %max3A_146 : vector<16xf32>
      %gt3A_219 = arith.cmpf ogt, %min3A_218, %max3A_147 : vector<16xf32>
      %select_n3A_220 = arith.select %gt3A_217, %broadcast_in_dim3A_187, %select_n3A_142 : vector<16xi1>, vector<16xi32>
      %select_n3A_221 = arith.select %gt3A_217, %select_n3A_142, %broadcast_in_dim3A_187 : vector<16xi1>, vector<16xi32>
      %select_n3A_222 = arith.select %gt3A_219, %select_n3A_221, %select_n3A_144 : vector<16xi1>, vector<16xi32>
      %select_n3A_223 = arith.select %gt3A_217, %get3A_216, %select_n3A_145 : vector<16xi1>, vector<16xf32>
      %max3A_224 = arith.maximumf %get3A_211, %max3A_146 : vector<16xf32>
      %max3A_225 = arith.maximumf %min3A_218, %max3A_147 : vector<16xf32>
      %get3A_226 = arith.constant 2 : i32
      %get3A_227 = arith.index_cast %get3A_226 : i32 to index
      %get3A_228 = arith.index_cast %add3A_30 : i32 to index
      %get3A_229 = tpu.vector_load %arg6[%get3A_227, %get3A_228] {strides = array<i32>} : memref<16x1024xf32, #tpu.memory_space<vmem>>, vector<1x16xf32>,
      %get3A_230 = vector.shape_cast %get3A_229 : vector<1x16xf32> to vector<16xf32>
      %get3A_231 = arith.constant 2 : i32
      %get3A_232 = arith.index_cast %get3A_231 : i32 to index
      %get3A_233 = arith.index_cast %add3A_30 : i32 to index
      %get3A_234 = tpu.vector_load %arg7[%get3A_232, %get3A_233] {strides = array<i32>} : memref<16x1024xf32, #tpu.memory_space<vmem>>, vector<1x16xf32>,
      %get3A_235 = vector.shape_cast %get3A_234 : vector<1x16xf32> to vector<16xf32>
      %gt3A_236 = arith.cmpf ogt, %get3A_230, %max3A_165 : vector<16xf32>
      %min3A_237 = arith.minimumf %get3A_230, %max3A_165 : vector<16xf32>
      %gt3A_238 = arith.cmpf ogt, %min3A_237, %max3A_166 : vector<16xf32>
      %select_n3A_239 = arith.select %gt3A_236, %broadcast_in_dim3A_187, %select_n3A_161 : vector<16xi1>, vector<16xi32>
      %select_n3A_240 = arith.select %gt3A_236, %select_n3A_161, %broadcast_in_dim3A_187 : vector<16xi1>, vector<16xi32>
      %select_n3A_241 = arith.select %gt3A_238, %select_n3A_240, %select_n3A_163 : vector<16xi1>, vector<16xi32>
      %select_n3A_242 = arith.select %gt3A_236, %get3A_235, %select_n3A_164 : vector<16xi1>, vector<16xf32>
      %max3A_243 = arith.maximumf %get3A_230, %max3A_165 : vector<16xf32>
      %max3A_244 = arith.maximumf %min3A_237, %max3A_166 : vector<16xf32>
      %get3A_245 = arith.constant 2 : i32
      %get3A_246 = arith.index_cast %get3A_245 : i32 to index
      %get3A_247 = arith.index_cast %add3A_34 : i32 to index
      %get3A_248 = tpu.vector_load %arg6[%get3A_246, %get3A_247] {strides = array<i32>} : memref<16x1024xf32, #tpu.memory_space<vmem>>, vector<1x16xf32>,
      %get3A_249 = vector.shape_cast %get3A_248 : vector<1x16xf32> to vector<16xf32>
      %get3A_250 = arith.constant 2 : i32
      %get3A_251 = arith.index_cast %get3A_250 : i32 to index
      %get3A_252 = arith.index_cast %add3A_34 : i32 to index
      %get3A_253 = tpu.vector_load %arg7[%get3A_251, %get3A_252] {strides = array<i32>} : memref<16x1024xf32, #tpu.memory_space<vmem>>, vector<1x16xf32>,
      %get3A_254 = vector.shape_cast %get3A_253 : vector<1x16xf32> to vector<16xf32>
      %gt3A_255 = arith.cmpf ogt, %get3A_249, %max3A_184 : vector<16xf32>
      %min3A_256 = arith.minimumf %get3A_249, %max3A_184 : vector<16xf32>
      %gt3A_257 = arith.cmpf ogt, %min3A_256, %max3A_185 : vector<16xf32>
      %select_n3A_258 = arith.select %gt3A_255, %broadcast_in_dim3A_187, %select_n3A_180 : vector<16xi1>, vector<16xi32>
      %select_n3A_259 = arith.select %gt3A_255, %select_n3A_180, %broadcast_in_dim3A_187 : vector<16xi1>, vector<16xi32>
      %select_n3A_260 = arith.select %gt3A_257, %select_n3A_259, %select_n3A_182 : vector<16xi1>, vector<16xi32>
      %select_n3A_261 = arith.select %gt3A_255, %get3A_254, %select_n3A_183 : vector<16xi1>, vector<16xf32>
      %max3A_262 = arith.maximumf %get3A_249, %max3A_184 : vector<16xf32>
      %max3A_263 = arith.maximumf %min3A_256, %max3A_185 : vector<16xf32>
      %broadcast_in_dim3A_264 = arith.constant 3 : i32
      %broadcast_in_dim3A_265 = vector.broadcast %broadcast_in_dim3A_264 : i32 to vector<16xi32>
      %get3A_266 = arith.constant 3 : i32
      %get3A_267 = arith.index_cast %get3A_266 : i32 to index
      %get3A_268 = arith.index_cast %add3A_22 : i32 to index
      %get3A_269 = tpu.vector_load %arg6[%get3A_267, %get3A_268] {strides = array<i32>} : memref<16x1024xf32, #tpu.memory_space<vmem>>, vector<1x16xf32>,
      %get3A_270 = vector.shape_cast %get3A_269 : vector<1x16xf32> to vector<16xf32>
      %get3A_271 = arith.constant 3 : i32
      %get3A_272 = arith.index_cast %get3A_271 : i32 to index
      %get3A_273 = arith.index_cast %add3A_22 : i32 to index
      %get3A_274 = tpu.vector_load %arg7[%get3A_272, %get3A_273] {strides = array<i32>} : memref<16x1024xf32, #tpu.memory_space<vmem>>, vector<1x16xf32>,
      %get3A_275 = vector.shape_cast %get3A_274 : vector<1x16xf32> to vector<16xf32>
      %gt3A_276 = arith.cmpf ogt, %get3A_270, %max3A_205 : vector<16xf32>
      %min3A_277 = arith.minimumf %get3A_270, %max3A_205 : vector<16xf32>
      %gt3A_278 = arith.cmpf ogt, %min3A_277, %max3A_206 : vector<16xf32>
      %select_n3A_279 = arith.select %gt3A_276, %broadcast_in_dim3A_265, %select_n3A_201 : vector<16xi1>, vector<16xi32>
      %select_n3A_280 = arith.select %gt3A_276, %select_n3A_201, %broadcast_in_dim3A_265 : vector<16xi1>, vector<16xi32>
      %select_n3A_281 = arith.select %gt3A_278, %select_n3A_280, %select_n3A_203 : vector<16xi1>, vector<16xi32>
      %select_n3A_282 = arith.select %gt3A_276, %get3A_275, %select_n3A_204 : vector<16xi1>, vector<16xf32>
      %max3A_283 = arith.maximumf %get3A_270, %max3A_205 : vector<16xf32>
      %max3A_284 = arith.maximumf %min3A_277, %max3A_206 : vector<16xf32>
      %get3A_285 = arith.constant 3 : i32
      %get3A_286 = arith.index_cast %get3A_285 : i32 to index
      %get3A_287 = arith.index_cast %add3A_26 : i32 to index
      %get3A_288 = tpu.vector_load %arg6[%get3A_286, %get3A_287] {strides = array<i32>} : memref<16x1024xf32, #tpu.memory_space<vmem>>, vector<1x16xf32>,
      %get3A_289 = vector.shape_cast %get3A_288 : vector<1x16xf32> to vector<16xf32>
      %get3A_290 = arith.constant 3 : i32
      %get3A_291 = arith.index_cast %get3A_290 : i32 to index
      %get3A_292 = arith.index_cast %add3A_26 : i32 to index
      %get3A_293 = tpu.vector_load %arg7[%get3A_291, %get3A_292] {strides = array<i32>} : memref<16x1024xf32, #tpu.memory_space<vmem>>, vector<1x16xf32>,
      %get3A_294 = vector.shape_cast %get3A_293 : vector<1x16xf32> to vector<16xf32>
      %gt3A_295 = arith.cmpf ogt, %get3A_289, %max3A_224 : vector<16xf32>
      %min3A_296 = arith.minimumf %get3A_289, %max3A_224 : vector<16xf32>
      %gt3A_297 = arith.cmpf ogt, %min3A_296, %max3A_225 : vector<16xf32>
      %select_n3A_298 = arith.select %gt3A_295, %broadcast_in_dim3A_265, %select_n3A_220 : vector<16xi1>, vector<16xi32>
      %select_n3A_299 = arith.select %gt3A_295, %select_n3A_220, %broadcast_in_dim3A_265 : vector<16xi1>, vector<16xi32>
      %select_n3A_300 = arith.select %gt3A_297, %select_n3A_299, %select_n3A_222 : vector<16xi1>, vector<16xi32>
      %select_n3A_301 = arith.select %gt3A_295, %get3A_294, %select_n3A_223 : vector<16xi1>, vector<16xf32>
      %max3A_302 = arith.maximumf %get3A_289, %max3A_224 : vector<16xf32>
      %max3A_303 = arith.maximumf %min3A_296, %max3A_225 : vector<16xf32>
      %get3A_304 = arith.constant 3 : i32
      %get3A_305 = arith.index_cast %get3A_304 : i32 to index
      %get3A_306 = arith.index_cast %add3A_30 : i32 to index
      %get3A_307 = tpu.vector_load %arg6[%get3A_305, %get3A_306] {strides = array<i32>} : memref<16x1024xf32, #tpu.memory_space<vmem>>, vector<1x16xf32>,
      %get3A_308 = vector.shape_cast %get3A_307 : vector<1x16xf32> to vector<16xf32>
      %get3A_309 = arith.constant 3 : i32
      %get3A_310 = arith.index_cast %get3A_309 : i32 to index
      %get3A_311 = arith.index_cast %add3A_30 : i32 to index
      %get3A_312 = tpu.vector_load %arg7[%get3A_310, %get3A_311] {strides = array<i32>} : memref<16x1024xf32, #tpu.memory_space<vmem>>, vector<1x16xf32>,
      %get3A_313 = vector.shape_cast %get3A_312 : vector<1x16xf32> to vector<16xf32>
      %gt3A_314 = arith.cmpf ogt, %get3A_308, %max3A_243 : vector<16xf32>
      %min3A_315 = arith.minimumf %get3A_308, %max3A_243 : vector<16xf32>
      %gt3A_316 = arith.cmpf ogt, %min3A_315, %max3A_244 : vector<16xf32>
      %select_n3A_317 = arith.select %gt3A_314, %broadcast_in_dim3A_265, %select_n3A_239 : vector<16xi1>, vector<16xi32>
      %select_n3A_318 = arith.select %gt3A_314, %select_n3A_239, %broadcast_in_dim3A_265 : vector<16xi1>, vector<16xi32>
      %select_n3A_319 = arith.select %gt3A_316, %select_n3A_318, %select_n3A_241 : vector<16xi1>, vector<16xi32>
      %select_n3A_320 = arith.select %gt3A_314, %get3A_313, %select_n3A_242 : vector<16xi1>, vector<16xf32>
      %max3A_321 = arith.maximumf %get3A_308, %max3A_243 : vector<16xf32>
      %max3A_322 = arith.maximumf %min3A_315, %max3A_244 : vector<16xf32>
      %get3A_323 = arith.constant 3 : i32
      %get3A_324 = arith.index_cast %get3A_323 : i32 to index
      %get3A_325 = arith.index_cast %add3A_34 : i32 to index
      %get3A_326 = tpu.vector_load %arg6[%get3A_324, %get3A_325] {strides = array<i32>} : memref<16x1024xf32, #tpu.memory_space<vmem>>, vector<1x16xf32>,
      %get3A_327 = vector.shape_cast %get3A_326 : vector<1x16xf32> to vector<16xf32>
      %get3A_328 = arith.constant 3 : i32
      %get3A_329 = arith.index_cast %get3A_328 : i32 to index
      %get3A_330 = arith.index_cast %add3A_34 : i32 to index
      %get3A_331 = tpu.vector_load %arg7[%get3A_329, %get3A_330] {strides = array<i32>} : memref<16x1024xf32, #tpu.memory_space<vmem>>, vector<1x16xf32>,
      %get3A_332 = vector.shape_cast %get3A_331 : vector<1x16xf32> to vector<16xf32>
      %gt3A_333 = arith.cmpf ogt, %get3A_327, %max3A_262 : vector<16xf32>
      %min3A_334 = arith.minimumf %get3A_327, %max3A_262 : vector<16xf32>
      %gt3A_335 = arith.cmpf ogt, %min3A_334, %max3A_263 : vector<16xf32>
      %select_n3A_336 = arith.select %gt3A_333, %broadcast_in_dim3A_265, %select_n3A_258 : vector<16xi1>, vector<16xi32>
      %select_n3A_337 = arith.select %gt3A_333, %select_n3A_258, %broadcast_in_dim3A_265 : vector<16xi1>, vector<16xi32>
      %select_n3A_338 = arith.select %gt3A_335, %select_n3A_337, %select_n3A_260 : vector<16xi1>, vector<16xi32>
      %select_n3A_339 = arith.select %gt3A_333, %get3A_332, %select_n3A_261 : vector<16xi1>, vector<16xf32>
      %max3A_340 = arith.maximumf %get3A_327, %max3A_262 : vector<16xf32>
      %max3A_341 = arith.maximumf %min3A_334, %max3A_263 : vector<16xf32>
      %broadcast_in_dim3A_342 = arith.constant 4 : i32
      %broadcast_in_dim3A_343 = vector.broadcast %broadcast_in_dim3A_342 : i32 to vector<16xi32>
      %get3A_344 = arith.constant 4 : i32
      %get3A_345 = arith.index_cast %get3A_344 : i32 to index
      %get3A_346 = arith.index_cast %add3A_22 : i32 to index
      %get3A_347 = tpu.vector_load %arg6[%get3A_345, %get3A_346] {strides = array<i32>} : memref<16x1024xf32, #tpu.memory_space<vmem>>, vector<1x16xf32>,
      %get3A_348 = vector.shape_cast %get3A_347 : vector<1x16xf32> to vector<16xf32>
      %get3A_349 = arith.constant 4 : i32
      %get3A_350 = arith.index_cast %get3A_349 : i32 to index
      %get3A_351 = arith.index_cast %add3A_22 : i32 to index
      %get3A_352 = tpu.vector_load %arg7[%get3A_350, %get3A_351] {strides = array<i32>} : memref<16x1024xf32, #tpu.memory_space<vmem>>, vector<1x16xf32>,
      %get3A_353 = vector.shape_cast %get3A_352 : vector<1x16xf32> to vector<16xf32>
      %gt3A_354 = arith.cmpf ogt, %get3A_348, %max3A_283 : vector<16xf32>
      %min3A_355 = arith.minimumf %get3A_348, %max3A_283 : vector<16xf32>
      %gt3A_356 = arith.cmpf ogt, %min3A_355, %max3A_284 : vector<16xf32>
      %select_n3A_357 = arith.select %gt3A_354, %broadcast_in_dim3A_343, %select_n3A_279 : vector<16xi1>, vector<16xi32>
      %select_n3A_358 = arith.select %gt3A_354, %select_n3A_279, %broadcast_in_dim3A_343 : vector<16xi1>, vector<16xi32>
      %select_n3A_359 = arith.select %gt3A_356, %select_n3A_358, %select_n3A_281 : vector<16xi1>, vector<16xi32>
      %select_n3A_360 = arith.select %gt3A_354, %get3A_353, %select_n3A_282 : vector<16xi1>, vector<16xf32>
      %max3A_361 = arith.maximumf %get3A_348, %max3A_283 : vector<16xf32>
      %max3A_362 = arith.maximumf %min3A_355, %max3A_284 : vector<16xf32>
      %get3A_363 = arith.constant 4 : i32
      %get3A_364 = arith.index_cast %get3A_363 : i32 to index
      %get3A_365 = arith.index_cast %add3A_26 : i32 to index
      %get3A_366 = tpu.vector_load %arg6[%get3A_364, %get3A_365] {strides = array<i32>} : memref<16x1024xf32, #tpu.memory_space<vmem>>, vector<1x16xf32>,
      %get3A_367 = vector.shape_cast %get3A_366 : vector<1x16xf32> to vector<16xf32>
      %get3A_368 = arith.constant 4 : i32
      %get3A_369 = arith.index_cast %get3A_368 : i32 to index
      %get3A_370 = arith.index_cast %add3A_26 : i32 to index
      %get3A_371 = tpu.vector_load %arg7[%get3A_369, %get3A_370] {strides = array<i32>} : memref<16x1024xf32, #tpu.memory_space<vmem>>, vector<1x16xf32>,
      %get3A_372 = vector.shape_cast %get3A_371 : vector<1x16xf32> to vector<16xf32>
      %gt3A_373 = arith.cmpf ogt, %get3A_367, %max3A_302 : vector<16xf32>
      %min3A_374 = arith.minimumf %get3A_367, %max3A_302 : vector<16xf32>
      %gt3A_375 = arith.cmpf ogt, %min3A_374, %max3A_303 : vector<16xf32>
      %select_n3A_376 = arith.select %gt3A_373, %broadcast_in_dim3A_343, %select_n3A_298 : vector<16xi1>, vector<16xi32>
      %select_n3A_377 = arith.select %gt3A_373, %select_n3A_298, %broadcast_in_dim3A_343 : vector<16xi1>, vector<16xi32>
      %select_n3A_378 = arith.select %gt3A_375, %select_n3A_377, %select_n3A_300 : vector<16xi1>, vector<16xi32>
      %select_n3A_379 = arith.select %gt3A_373, %get3A_372, %select_n3A_301 : vector<16xi1>, vector<16xf32>
      %max3A_380 = arith.maximumf %get3A_367, %max3A_302 : vector<16xf32>
      %max3A_381 = arith.maximumf %min3A_374, %max3A_303 : vector<16xf32>
      %get3A_382 = arith.constant 4 : i32
      %get3A_383 = arith.index_cast %get3A_382 : i32 to index
      %get3A_384 = arith.index_cast %add3A_30 : i32 to index
      %get3A_385 = tpu.vector_load %arg6[%get3A_383, %get3A_384] {strides = array<i32>} : memref<16x1024xf32, #tpu.memory_space<vmem>>, vector<1x16xf32>,
      %get3A_386 = vector.shape_cast %get3A_385 : vector<1x16xf32> to vector<16xf32>
      %get3A_387 = arith.constant 4 : i32
      %get3A_388 = arith.index_cast %get3A_387 : i32 to index
      %get3A_389 = arith.index_cast %add3A_30 : i32 to index
      %get3A_390 = tpu.vector_load %arg7[%get3A_388, %get3A_389] {strides = array<i32>} : memref<16x1024xf32, #tpu.memory_space<vmem>>, vector<1x16xf32>,
      %get3A_391 = vector.shape_cast %get3A_390 : vector<1x16xf32> to vector<16xf32>
      %gt3A_392 = arith.cmpf ogt, %get3A_386, %max3A_321 : vector<16xf32>
      %min3A_393 = arith.minimumf %get3A_386, %max3A_321 : vector<16xf32>
      %gt3A_394 = arith.cmpf ogt, %min3A_393, %max3A_322 : vector<16xf32>
      %select_n3A_395 = arith.select %gt3A_392, %broadcast_in_dim3A_343, %select_n3A_317 : vector<16xi1>, vector<16xi32>
      %select_n3A_396 = arith.select %gt3A_392, %select_n3A_317, %broadcast_in_dim3A_343 : vector<16xi1>, vector<16xi32>
      %select_n3A_397 = arith.select %gt3A_394, %select_n3A_396, %select_n3A_319 : vector<16xi1>, vector<16xi32>
      %select_n3A_398 = arith.select %gt3A_392, %get3A_391, %select_n3A_320 : vector<16xi1>, vector<16xf32>
      %max3A_399 = arith.maximumf %get3A_386, %max3A_321 : vector<16xf32>
      %max3A_400 = arith.maximumf %min3A_393, %max3A_322 : vector<16xf32>
      %get3A_401 = arith.constant 4 : i32
      %get3A_402 = arith.index_cast %get3A_401 : i32 to index
      %get3A_403 = arith.index_cast %add3A_34 : i32 to index
      %get3A_404 = tpu.vector_load %arg6[%get3A_402, %get3A_403] {strides = array<i32>} : memref<16x1024xf32, #tpu.memory_space<vmem>>, vector<1x16xf32>,
      %get3A_405 = vector.shape_cast %get3A_404 : vector<1x16xf32> to vector<16xf32>
      %get3A_406 = arith.constant 4 : i32
      %get3A_407 = arith.index_cast %get3A_406 : i32 to index
      %get3A_408 = arith.index_cast %add3A_34 : i32 to index
      %get3A_409 = tpu.vector_load %arg7[%get3A_407, %get3A_408] {strides = array<i32>} : memref<16x1024xf32, #tpu.memory_space<vmem>>, vector<1x16xf32>,
      %get3A_410 = vector.shape_cast %get3A_409 : vector<1x16xf32> to vector<16xf32>
      %gt3A_411 = arith.cmpf ogt, %get3A_405, %max3A_340 : vector<16xf32>
      %min3A_412 = arith.minimumf %get3A_405, %max3A_340 : vector<16xf32>
      %gt3A_413 = arith.cmpf ogt, %min3A_412, %max3A_341 : vector<16xf32>
      %select_n3A_414 = arith.select %gt3A_411, %broadcast_in_dim3A_343, %select_n3A_336 : vector<16xi1>, vector<16xi32>
      %select_n3A_415 = arith.select %gt3A_411, %select_n3A_336, %broadcast_in_dim3A_343 : vector<16xi1>, vector<16xi32>
      %select_n3A_416 = arith.select %gt3A_413, %select_n3A_415, %select_n3A_338 : vector<16xi1>, vector<16xi32>
      %select_n3A_417 = arith.select %gt3A_411, %get3A_410, %select_n3A_339 : vector<16xi1>, vector<16xf32>
      %max3A_418 = arith.maximumf %get3A_405, %max3A_340 : vector<16xf32>
      %max3A_419 = arith.maximumf %min3A_412, %max3A_341 : vector<16xf32>
      %broadcast_in_dim3A_420 = arith.constant 5 : i32
      %broadcast_in_dim3A_421 = vector.broadcast %broadcast_in_dim3A_420 : i32 to vector<16xi32>
      %get3A_422 = arith.constant 5 : i32
      %get3A_423 = arith.index_cast %get3A_422 : i32 to index
      %get3A_424 = arith.index_cast %add3A_22 : i32 to index
      %get3A_425 = tpu.vector_load %arg6[%get3A_423, %get3A_424] {strides = array<i32>} : memref<16x1024xf32, #tpu.memory_space<vmem>>, vector<1x16xf32>,
      %get3A_426 = vector.shape_cast %get3A_425 : vector<1x16xf32> to vector<16xf32>
      %get3A_427 = arith.constant 5 : i32
      %get3A_428 = arith.index_cast %get3A_427 : i32 to index
      %get3A_429 = arith.index_cast %add3A_22 : i32 to index
      %get3A_430 = tpu.vector_load %arg7[%get3A_428, %get3A_429] {strides = array<i32>} : memref<16x1024xf32, #tpu.memory_space<vmem>>, vector<1x16xf32>,
      %get3A_431 = vector.shape_cast %get3A_430 : vector<1x16xf32> to vector<16xf32>
      %gt3A_432 = arith.cmpf ogt, %get3A_426, %max3A_361 : vector<16xf32>
      %min3A_433 = arith.minimumf %get3A_426, %max3A_361 : vector<16xf32>
      %gt3A_434 = arith.cmpf ogt, %min3A_433, %max3A_362 : vector<16xf32>
      %select_n3A_435 = arith.select %gt3A_432, %broadcast_in_dim3A_421, %select_n3A_357 : vector<16xi1>, vector<16xi32>
      %select_n3A_436 = arith.select %gt3A_432, %select_n3A_357, %broadcast_in_dim3A_421 : vector<16xi1>, vector<16xi32>
      %select_n3A_437 = arith.select %gt3A_434, %select_n3A_436, %select_n3A_359 : vector<16xi1>, vector<16xi32>
      %select_n3A_438 = arith.select %gt3A_432, %get3A_431, %select_n3A_360 : vector<16xi1>, vector<16xf32>
      %max3A_439 = arith.maximumf %get3A_426, %max3A_361 : vector<16xf32>
      %max3A_440 = arith.maximumf %min3A_433, %max3A_362 : vector<16xf32>
      %get3A_441 = arith.constant 5 : i32
      %get3A_442 = arith.index_cast %get3A_441 : i32 to index
      %get3A_443 = arith.index_cast %add3A_26 : i32 to index
      %get3A_444 = tpu.vector_load %arg6[%get3A_442, %get3A_443] {strides = array<i32>} : memref<16x1024xf32, #tpu.memory_space<vmem>>, vector<1x16xf32>,
      %get3A_445 = vector.shape_cast %get3A_444 : vector<1x16xf32> to vector<16xf32>
      %get3A_446 = arith.constant 5 : i32
      %get3A_447 = arith.index_cast %get3A_446 : i32 to index
      %get3A_448 = arith.index_cast %add3A_26 : i32 to index
      %get3A_449 = tpu.vector_load %arg7[%get3A_447, %get3A_448] {strides = array<i32>} : memref<16x1024xf32, #tpu.memory_space<vmem>>, vector<1x16xf32>,
      %get3A_450 = vector.shape_cast %get3A_449 : vector<1x16xf32> to vector<16xf32>
      %gt3A_451 = arith.cmpf ogt, %get3A_445, %max3A_380 : vector<16xf32>
      %min3A_452 = arith.minimumf %get3A_445, %max3A_380 : vector<16xf32>
      %gt3A_453 = arith.cmpf ogt, %min3A_452, %max3A_381 : vector<16xf32>
      %select_n3A_454 = arith.select %gt3A_451, %broadcast_in_dim3A_421, %select_n3A_376 : vector<16xi1>, vector<16xi32>
      %select_n3A_455 = arith.select %gt3A_451, %select_n3A_376, %broadcast_in_dim3A_421 : vector<16xi1>, vector<16xi32>
      %select_n3A_456 = arith.select %gt3A_453, %select_n3A_455, %select_n3A_378 : vector<16xi1>, vector<16xi32>
      %select_n3A_457 = arith.select %gt3A_451, %get3A_450, %select_n3A_379 : vector<16xi1>, vector<16xf32>
      %max3A_458 = arith.maximumf %get3A_445, %max3A_380 : vector<16xf32>
      %max3A_459 = arith.maximumf %min3A_452, %max3A_381 : vector<16xf32>
      %get3A_460 = arith.constant 5 : i32
      %get3A_461 = arith.index_cast %get3A_460 : i32 to index
      %get3A_462 = arith.index_cast %add3A_30 : i32 to index
      %get3A_463 = tpu.vector_load %arg6[%get3A_461, %get3A_462] {strides = array<i32>} : memref<16x1024xf32, #tpu.memory_space<vmem>>, vector<1x16xf32>,
      %get3A_464 = vector.shape_cast %get3A_463 : vector<1x16xf32> to vector<16xf32>
      %get3A_465 = arith.constant 5 : i32
      %get3A_466 = arith.index_cast %get3A_465 : i32 to index
      %get3A_467 = arith.index_cast %add3A_30 : i32 to index
      %get3A_468 = tpu.vector_load %arg7[%get3A_466, %get3A_467] {strides = array<i32>} : memref<16x1024xf32, #tpu.memory_space<vmem>>, vector<1x16xf32>,
      %get3A_469 = vector.shape_cast %get3A_468 : vector<1x16xf32> to vector<16xf32>
      %gt3A_470 = arith.cmpf ogt, %get3A_464, %max3A_399 : vector<16xf32>
      %min3A_471 = arith.minimumf %get3A_464, %max3A_399 : vector<16xf32>
      %gt3A_472 = arith.cmpf ogt, %min3A_471, %max3A_400 : vector<16xf32>
      %select_n3A_473 = arith.select %gt3A_470, %broadcast_in_dim3A_421, %select_n3A_395 : vector<16xi1>, vector<16xi32>
      %select_n3A_474 = arith.select %gt3A_470, %select_n3A_395, %broadcast_in_dim3A_421 : vector<16xi1>, vector<16xi32>
      %select_n3A_475 = arith.select %gt3A_472, %select_n3A_474, %select_n3A_397 : vector<16xi1>, vector<16xi32>
      %select_n3A_476 = arith.select %gt3A_470, %get3A_469, %select_n3A_398 : vector<16xi1>, vector<16xf32>
      %max3A_477 = arith.maximumf %get3A_464, %max3A_399 : vector<16xf32>
      %max3A_478 = arith.maximumf %min3A_471, %max3A_400 : vector<16xf32>
      %get3A_479 = arith.constant 5 : i32
      %get3A_480 = arith.index_cast %get3A_479 : i32 to index
      %get3A_481 = arith.index_cast %add3A_34 : i32 to index
      %get3A_482 = tpu.vector_load %arg6[%get3A_480, %get3A_481] {strides = array<i32>} : memref<16x1024xf32, #tpu.memory_space<vmem>>, vector<1x16xf32>,
      %get3A_483 = vector.shape_cast %get3A_482 : vector<1x16xf32> to vector<16xf32>
      %get3A_484 = arith.constant 5 : i32
      %get3A_485 = arith.index_cast %get3A_484 : i32 to index
      %get3A_486 = arith.index_cast %add3A_34 : i32 to index
      %get3A_487 = tpu.vector_load %arg7[%get3A_485, %get3A_486] {strides = array<i32>} : memref<16x1024xf32, #tpu.memory_space<vmem>>, vector<1x16xf32>,
      %get3A_488 = vector.shape_cast %get3A_487 : vector<1x16xf32> to vector<16xf32>
      %gt3A_489 = arith.cmpf ogt, %get3A_483, %max3A_418 : vector<16xf32>
      %min3A_490 = arith.minimumf %get3A_483, %max3A_418 : vector<16xf32>
      %gt3A_491 = arith.cmpf ogt, %min3A_490, %max3A_419 : vector<16xf32>
      %select_n3A_492 = arith.select %gt3A_489, %broadcast_in_dim3A_421, %select_n3A_414 : vector<16xi1>, vector<16xi32>
      %select_n3A_493 = arith.select %gt3A_489, %select_n3A_414, %broadcast_in_dim3A_421 : vector<16xi1>, vector<16xi32>
      %select_n3A_494 = arith.select %gt3A_491, %select_n3A_493, %select_n3A_416 : vector<16xi1>, vector<16xi32>
      %select_n3A_495 = arith.select %gt3A_489, %get3A_488, %select_n3A_417 : vector<16xi1>, vector<16xf32>
      %max3A_496 = arith.maximumf %get3A_483, %max3A_418 : vector<16xf32>
      %max3A_497 = arith.maximumf %min3A_490, %max3A_419 : vector<16xf32>
      %broadcast_in_dim3A_498 = arith.constant 6 : i32
      %broadcast_in_dim3A_499 = vector.broadcast %broadcast_in_dim3A_498 : i32 to vector<16xi32>
      %get3A_500 = arith.constant 6 : i32
      %get3A_501 = arith.index_cast %get3A_500 : i32 to index
      %get3A_502 = arith.index_cast %add3A_22 : i32 to index
      %get3A_503 = tpu.vector_load %arg6[%get3A_501, %get3A_502] {strides = array<i32>} : memref<16x1024xf32, #tpu.memory_space<vmem>>, vector<1x16xf32>,
      %get3A_504 = vector.shape_cast %get3A_503 : vector<1x16xf32> to vector<16xf32>
      %get3A_505 = arith.constant 6 : i32
      %get3A_506 = arith.index_cast %get3A_505 : i32 to index
      %get3A_507 = arith.index_cast %add3A_22 : i32 to index
      %get3A_508 = tpu.vector_load %arg7[%get3A_506, %get3A_507] {strides = array<i32>} : memref<16x1024xf32, #tpu.memory_space<vmem>>, vector<1x16xf32>,
      %get3A_509 = vector.shape_cast %get3A_508 : vector<1x16xf32> to vector<16xf32>
      %gt3A_510 = arith.cmpf ogt, %get3A_504, %max3A_439 : vector<16xf32>
      %min3A_511 = arith.minimumf %get3A_504, %max3A_439 : vector<16xf32>
      %gt3A_512 = arith.cmpf ogt, %min3A_511, %max3A_440 : vector<16xf32>
      %select_n3A_513 = arith.select %gt3A_510, %broadcast_in_dim3A_499, %select_n3A_435 : vector<16xi1>, vector<16xi32>
      %select_n3A_514 = arith.select %gt3A_510, %select_n3A_435, %broadcast_in_dim3A_499 : vector<16xi1>, vector<16xi32>
      %select_n3A_515 = arith.select %gt3A_512, %select_n3A_514, %select_n3A_437 : vector<16xi1>, vector<16xi32>
      %select_n3A_516 = arith.select %gt3A_510, %get3A_509, %select_n3A_438 : vector<16xi1>, vector<16xf32>
      %max3A_517 = arith.maximumf %get3A_504, %max3A_439 : vector<16xf32>
      %max3A_518 = arith.maximumf %min3A_511, %max3A_440 : vector<16xf32>
      %get3A_519 = arith.constant 6 : i32
      %get3A_520 = arith.index_cast %get3A_519 : i32 to index
      %get3A_521 = arith.index_cast %add3A_26 : i32 to index
      %get3A_522 = tpu.vector_load %arg6[%get3A_520, %get3A_521] {strides = array<i32>} : memref<16x1024xf32, #tpu.memory_space<vmem>>, vector<1x16xf32>,
      %get3A_523 = vector.shape_cast %get3A_522 : vector<1x16xf32> to vector<16xf32>
      %get3A_524 = arith.constant 6 : i32
      %get3A_525 = arith.index_cast %get3A_524 : i32 to index
      %get3A_526 = arith.index_cast %add3A_26 : i32 to index
      %get3A_527 = tpu.vector_load %arg7[%get3A_525, %get3A_526] {strides = array<i32>} : memref<16x1024xf32, #tpu.memory_space<vmem>>, vector<1x16xf32>,
      %get3A_528 = vector.shape_cast %get3A_527 : vector<1x16xf32> to vector<16xf32>
      %gt3A_529 = arith.cmpf ogt, %get3A_523, %max3A_458 : vector<16xf32>
      %min3A_530 = arith.minimumf %get3A_523, %max3A_458 : vector<16xf32>
      %gt3A_531 = arith.cmpf ogt, %min3A_530, %max3A_459 : vector<16xf32>
      %select_n3A_532 = arith.select %gt3A_529, %broadcast_in_dim3A_499, %select_n3A_454 : vector<16xi1>, vector<16xi32>
      %select_n3A_533 = arith.select %gt3A_529, %select_n3A_454, %broadcast_in_dim3A_499 : vector<16xi1>, vector<16xi32>
      %select_n3A_534 = arith.select %gt3A_531, %select_n3A_533, %select_n3A_456 : vector<16xi1>, vector<16xi32>
      %select_n3A_535 = arith.select %gt3A_529, %get3A_528, %select_n3A_457 : vector<16xi1>, vector<16xf32>
      %max3A_536 = arith.maximumf %get3A_523, %max3A_458 : vector<16xf32>
      %max3A_537 = arith.maximumf %min3A_530, %max3A_459 : vector<16xf32>
      %get3A_538 = arith.constant 6 : i32
      %get3A_539 = arith.index_cast %get3A_538 : i32 to index
      %get3A_540 = arith.index_cast %add3A_30 : i32 to index
      %get3A_541 = tpu.vector_load %arg6[%get3A_539, %get3A_540] {strides = array<i32>} : memref<16x1024xf32, #tpu.memory_space<vmem>>, vector<1x16xf32>,
      %get3A_542 = vector.shape_cast %get3A_541 : vector<1x16xf32> to vector<16xf32>
      %get3A_543 = arith.constant 6 : i32
      %get3A_544 = arith.index_cast %get3A_543 : i32 to index
      %get3A_545 = arith.index_cast %add3A_30 : i32 to index
      %get3A_546 = tpu.vector_load %arg7[%get3A_544, %get3A_545] {strides = array<i32>} : memref<16x1024xf32, #tpu.memory_space<vmem>>, vector<1x16xf32>,
      %get3A_547 = vector.shape_cast %get3A_546 : vector<1x16xf32> to vector<16xf32>
      %gt3A_548 = arith.cmpf ogt, %get3A_542, %max3A_477 : vector<16xf32>
      %min3A_549 = arith.minimumf %get3A_542, %max3A_477 : vector<16xf32>
      %gt3A_550 = arith.cmpf ogt, %min3A_549, %max3A_478 : vector<16xf32>
      %select_n3A_551 = arith.select %gt3A_548, %broadcast_in_dim3A_499, %select_n3A_473 : vector<16xi1>, vector<16xi32>
      %select_n3A_552 = arith.select %gt3A_548, %select_n3A_473, %broadcast_in_dim3A_499 : vector<16xi1>, vector<16xi32>
      %select_n3A_553 = arith.select %gt3A_550, %select_n3A_552, %select_n3A_475 : vector<16xi1>, vector<16xi32>
      %select_n3A_554 = arith.select %gt3A_548, %get3A_547, %select_n3A_476 : vector<16xi1>, vector<16xf32>
      %max3A_555 = arith.maximumf %get3A_542, %max3A_477 : vector<16xf32>
      %max3A_556 = arith.maximumf %min3A_549, %max3A_478 : vector<16xf32>
      %get3A_557 = arith.constant 6 : i32
      %get3A_558 = arith.index_cast %get3A_557 : i32 to index
      %get3A_559 = arith.index_cast %add3A_34 : i32 to index
      %get3A_560 = tpu.vector_load %arg6[%get3A_558, %get3A_559] {strides = array<i32>} : memref<16x1024xf32, #tpu.memory_space<vmem>>, vector<1x16xf32>,
      %get3A_561 = vector.shape_cast %get3A_560 : vector<1x16xf32> to vector<16xf32>
      %get3A_562 = arith.constant 6 : i32
      %get3A_563 = arith.index_cast %get3A_562 : i32 to index
      %get3A_564 = arith.index_cast %add3A_34 : i32 to index
      %get3A_565 = tpu.vector_load %arg7[%get3A_563, %get3A_564] {strides = array<i32>} : memref<16x1024xf32, #tpu.memory_space<vmem>>, vector<1x16xf32>,
      %get3A_566 = vector.shape_cast %get3A_565 : vector<1x16xf32> to vector<16xf32>
      %gt3A_567 = arith.cmpf ogt, %get3A_561, %max3A_496 : vector<16xf32>
      %min3A_568 = arith.minimumf %get3A_561, %max3A_496 : vector<16xf32>
      %gt3A_569 = arith.cmpf ogt, %min3A_568, %max3A_497 : vector<16xf32>
      %select_n3A_570 = arith.select %gt3A_567, %broadcast_in_dim3A_499, %select_n3A_492 : vector<16xi1>, vector<16xi32>
      %select_n3A_571 = arith.select %gt3A_567, %select_n3A_492, %broadcast_in_dim3A_499 : vector<16xi1>, vector<16xi32>
      %select_n3A_572 = arith.select %gt3A_569, %select_n3A_571, %select_n3A_494 : vector<16xi1>, vector<16xi32>
      %select_n3A_573 = arith.select %gt3A_567, %get3A_566, %select_n3A_495 : vector<16xi1>, vector<16xf32>
      %max3A_574 = arith.maximumf %get3A_561, %max3A_496 : vector<16xf32>
      %max3A_575 = arith.maximumf %min3A_568, %max3A_497 : vector<16xf32>
      %broadcast_in_dim3A_576 = arith.constant 7 : i32
      %broadcast_in_dim3A_577 = vector.broadcast %broadcast_in_dim3A_576 : i32 to vector<16xi32>
      %get3A_578 = arith.constant 7 : i32
      %get3A_579 = arith.index_cast %get3A_578 : i32 to index
      %get3A_580 = arith.index_cast %add3A_22 : i32 to index
      %get3A_581 = tpu.vector_load %arg6[%get3A_579, %get3A_580] {strides = array<i32>} : memref<16x1024xf32, #tpu.memory_space<vmem>>, vector<1x16xf32>,
      %get3A_582 = vector.shape_cast %get3A_581 : vector<1x16xf32> to vector<16xf32>
      %get3A_583 = arith.constant 7 : i32
      %get3A_584 = arith.index_cast %get3A_583 : i32 to index
      %get3A_585 = arith.index_cast %add3A_22 : i32 to index
      %get3A_586 = tpu.vector_load %arg7[%get3A_584, %get3A_585] {strides = array<i32>} : memref<16x1024xf32, #tpu.memory_space<vmem>>, vector<1x16xf32>,
      %get3A_587 = vector.shape_cast %get3A_586 : vector<1x16xf32> to vector<16xf32>
      %gt3A_588 = arith.cmpf ogt, %get3A_582, %max3A_517 : vector<16xf32>
      %min3A_589 = arith.minimumf %get3A_582, %max3A_517 : vector<16xf32>
      %gt3A_590 = arith.cmpf ogt, %min3A_589, %max3A_518 : vector<16xf32>
      %select_n3A_591 = arith.select %gt3A_588, %broadcast_in_dim3A_577, %select_n3A_513 : vector<16xi1>, vector<16xi32>
      %select_n3A_592 = arith.select %gt3A_588, %select_n3A_513, %broadcast_in_dim3A_577 : vector<16xi1>, vector<16xi32>
      %select_n3A_593 = arith.select %gt3A_590, %select_n3A_592, %select_n3A_515 : vector<16xi1>, vector<16xi32>
      %select_n3A_594 = arith.select %gt3A_588, %get3A_587, %select_n3A_516 : vector<16xi1>, vector<16xf32>
      %max3A_595 = arith.maximumf %get3A_582, %max3A_517 : vector<16xf32>
      %max3A_596 = arith.maximumf %min3A_589, %max3A_518 : vector<16xf32>
      %get3A_597 = arith.constant 7 : i32
      %get3A_598 = arith.index_cast %get3A_597 : i32 to index
      %get3A_599 = arith.index_cast %add3A_26 : i32 to index
      %get3A_600 = tpu.vector_load %arg6[%get3A_598, %get3A_599] {strides = array<i32>} : memref<16x1024xf32, #tpu.memory_space<vmem>>, vector<1x16xf32>,
      %get3A_601 = vector.shape_cast %get3A_600 : vector<1x16xf32> to vector<16xf32>
      %get3A_602 = arith.constant 7 : i32
      %get3A_603 = arith.index_cast %get3A_602 : i32 to index
      %get3A_604 = arith.index_cast %add3A_26 : i32 to index
      %get3A_605 = tpu.vector_load %arg7[%get3A_603, %get3A_604] {strides = array<i32>} : memref<16x1024xf32, #tpu.memory_space<vmem>>, vector<1x16xf32>,
      %get3A_606 = vector.shape_cast %get3A_605 : vector<1x16xf32> to vector<16xf32>
      %gt3A_607 = arith.cmpf ogt, %get3A_601, %max3A_536 : vector<16xf32>
      %min3A_608 = arith.minimumf %get3A_601, %max3A_536 : vector<16xf32>
      %gt3A_609 = arith.cmpf ogt, %min3A_608, %max3A_537 : vector<16xf32>
      %select_n3A_610 = arith.select %gt3A_607, %broadcast_in_dim3A_577, %select_n3A_532 : vector<16xi1>, vector<16xi32>
      %select_n3A_611 = arith.select %gt3A_607, %select_n3A_532, %broadcast_in_dim3A_577 : vector<16xi1>, vector<16xi32>
      %select_n3A_612 = arith.select %gt3A_609, %select_n3A_611, %select_n3A_534 : vector<16xi1>, vector<16xi32>
      %select_n3A_613 = arith.select %gt3A_607, %get3A_606, %select_n3A_535 : vector<16xi1>, vector<16xf32>
      %max3A_614 = arith.maximumf %get3A_601, %max3A_536 : vector<16xf32>
      %max3A_615 = arith.maximumf %min3A_608, %max3A_537 : vector<16xf32>
      %get3A_616 = arith.constant 7 : i32
      %get3A_617 = arith.index_cast %get3A_616 : i32 to index
      %get3A_618 = arith.index_cast %add3A_30 : i32 to index
      %get3A_619 = tpu.vector_load %arg6[%get3A_617, %get3A_618] {strides = array<i32>} : memref<16x1024xf32, #tpu.memory_space<vmem>>, vector<1x16xf32>,
      %get3A_620 = vector.shape_cast %get3A_619 : vector<1x16xf32> to vector<16xf32>
      %get3A_621 = arith.constant 7 : i32
      %get3A_622 = arith.index_cast %get3A_621 : i32 to index
      %get3A_623 = arith.index_cast %add3A_30 : i32 to index
      %get3A_624 = tpu.vector_load %arg7[%get3A_622, %get3A_623] {strides = array<i32>} : memref<16x1024xf32, #tpu.memory_space<vmem>>, vector<1x16xf32>,
      %get3A_625 = vector.shape_cast %get3A_624 : vector<1x16xf32> to vector<16xf32>
      %gt3A_626 = arith.cmpf ogt, %get3A_620, %max3A_555 : vector<16xf32>
      %min3A_627 = arith.minimumf %get3A_620, %max3A_555 : vector<16xf32>
      %gt3A_628 = arith.cmpf ogt, %min3A_627, %max3A_556 : vector<16xf32>
      %select_n3A_629 = arith.select %gt3A_626, %broadcast_in_dim3A_577, %select_n3A_551 : vector<16xi1>, vector<16xi32>
      %select_n3A_630 = arith.select %gt3A_626, %select_n3A_551, %broadcast_in_dim3A_577 : vector<16xi1>, vector<16xi32>
      %select_n3A_631 = arith.select %gt3A_628, %select_n3A_630, %select_n3A_553 : vector<16xi1>, vector<16xi32>
      %select_n3A_632 = arith.select %gt3A_626, %get3A_625, %select_n3A_554 : vector<16xi1>, vector<16xf32>
      %max3A_633 = arith.maximumf %get3A_620, %max3A_555 : vector<16xf32>
      %max3A_634 = arith.maximumf %min3A_627, %max3A_556 : vector<16xf32>
      %get3A_635 = arith.constant 7 : i32
      %get3A_636 = arith.index_cast %get3A_635 : i32 to index
      %get3A_637 = arith.index_cast %add3A_34 : i32 to index
      %get3A_638 = tpu.vector_load %arg6[%get3A_636, %get3A_637] {strides = array<i32>} : memref<16x1024xf32, #tpu.memory_space<vmem>>, vector<1x16xf32>,
      %get3A_639 = vector.shape_cast %get3A_638 : vector<1x16xf32> to vector<16xf32>
      %get3A_640 = arith.constant 7 : i32
      %get3A_641 = arith.index_cast %get3A_640 : i32 to index
      %get3A_642 = arith.index_cast %add3A_34 : i32 to index
      %get3A_643 = tpu.vector_load %arg7[%get3A_641, %get3A_642] {strides = array<i32>} : memref<16x1024xf32, #tpu.memory_space<vmem>>, vector<1x16xf32>,
      %get3A_644 = vector.shape_cast %get3A_643 : vector<1x16xf32> to vector<16xf32>
      %gt3A_645 = arith.cmpf ogt, %get3A_639, %max3A_574 : vector<16xf32>
      %min3A_646 = arith.minimumf %get3A_639, %max3A_574 : vector<16xf32>
      %gt3A_647 = arith.cmpf ogt, %min3A_646, %max3A_575 : vector<16xf32>
      %select_n3A_648 = arith.select %gt3A_645, %broadcast_in_dim3A_577, %select_n3A_570 : vector<16xi1>, vector<16xi32>
      %select_n3A_649 = arith.select %gt3A_645, %select_n3A_570, %broadcast_in_dim3A_577 : vector<16xi1>, vector<16xi32>
      %select_n3A_650 = arith.select %gt3A_647, %select_n3A_649, %select_n3A_572 : vector<16xi1>, vector<16xi32>
      %select_n3A_651 = arith.select %gt3A_645, %get3A_644, %select_n3A_573 : vector<16xi1>, vector<16xf32>
      %max3A_652 = arith.maximumf %get3A_639, %max3A_574 : vector<16xf32>
      %max3A_653 = arith.maximumf %min3A_646, %max3A_575 : vector<16xf32>
      %broadcast_in_dim3A_654 = arith.constant 8 : i32
      %broadcast_in_dim3A_655 = vector.broadcast %broadcast_in_dim3A_654 : i32 to vector<16xi32>
      %get3A_656 = arith.constant 8 : i32
      %get3A_657 = arith.index_cast %get3A_656 : i32 to index
      %get3A_658 = arith.index_cast %add3A_22 : i32 to index
      %get3A_659 = tpu.vector_load %arg6[%get3A_657, %get3A_658] {strides = array<i32>} : memref<16x1024xf32, #tpu.memory_space<vmem>>, vector<1x16xf32>,
      %get3A_660 = vector.shape_cast %get3A_659 : vector<1x16xf32> to vector<16xf32>
      %get3A_661 = arith.constant 8 : i32
      %get3A_662 = arith.index_cast %get3A_661 : i32 to index
      %get3A_663 = arith.index_cast %add3A_22 : i32 to index
      %get3A_664 = tpu.vector_load %arg7[%get3A_662, %get3A_663] {strides = array<i32>} : memref<16x1024xf32, #tpu.memory_space<vmem>>, vector<1x16xf32>,
      %get3A_665 = vector.shape_cast %get3A_664 : vector<1x16xf32> to vector<16xf32>
      %gt3A_666 = arith.cmpf ogt, %get3A_660, %max3A_595 : vector<16xf32>
      %min3A_667 = arith.minimumf %get3A_660, %max3A_595 : vector<16xf32>
      %gt3A_668 = arith.cmpf ogt, %min3A_667, %max3A_596 : vector<16xf32>
      %select_n3A_669 = arith.select %gt3A_666, %broadcast_in_dim3A_655, %select_n3A_591 : vector<16xi1>, vector<16xi32>
      %select_n3A_670 = arith.select %gt3A_666, %select_n3A_591, %broadcast_in_dim3A_655 : vector<16xi1>, vector<16xi32>
      %select_n3A_671 = arith.select %gt3A_668, %select_n3A_670, %select_n3A_593 : vector<16xi1>, vector<16xi32>
      %select_n3A_672 = arith.select %gt3A_666, %get3A_665, %select_n3A_594 : vector<16xi1>, vector<16xf32>
      %max3A_673 = arith.maximumf %get3A_660, %max3A_595 : vector<16xf32>
      %max3A_674 = arith.maximumf %min3A_667, %max3A_596 : vector<16xf32>
      %get3A_675 = arith.constant 8 : i32
      %get3A_676 = arith.index_cast %get3A_675 : i32 to index
      %get3A_677 = arith.index_cast %add3A_26 : i32 to index
      %get3A_678 = tpu.vector_load %arg6[%get3A_676, %get3A_677] {strides = array<i32>} : memref<16x1024xf32, #tpu.memory_space<vmem>>, vector<1x16xf32>,
      %get3A_679 = vector.shape_cast %get3A_678 : vector<1x16xf32> to vector<16xf32>
      %get3A_680 = arith.constant 8 : i32
      %get3A_681 = arith.index_cast %get3A_680 : i32 to index
      %get3A_682 = arith.index_cast %add3A_26 : i32 to index
      %get3A_683 = tpu.vector_load %arg7[%get3A_681, %get3A_682] {strides = array<i32>} : memref<16x1024xf32, #tpu.memory_space<vmem>>, vector<1x16xf32>,
      %get3A_684 = vector.shape_cast %get3A_683 : vector<1x16xf32> to vector<16xf32>
      %gt3A_685 = arith.cmpf ogt, %get3A_679, %max3A_614 : vector<16xf32>
      %min3A_686 = arith.minimumf %get3A_679, %max3A_614 : vector<16xf32>
      %gt3A_687 = arith.cmpf ogt, %min3A_686, %max3A_615 : vector<16xf32>
      %select_n3A_688 = arith.select %gt3A_685, %broadcast_in_dim3A_655, %select_n3A_610 : vector<16xi1>, vector<16xi32>
      %select_n3A_689 = arith.select %gt3A_685, %select_n3A_610, %broadcast_in_dim3A_655 : vector<16xi1>, vector<16xi32>
      %select_n3A_690 = arith.select %gt3A_687, %select_n3A_689, %select_n3A_612 : vector<16xi1>, vector<16xi32>
      %select_n3A_691 = arith.select %gt3A_685, %get3A_684, %select_n3A_613 : vector<16xi1>, vector<16xf32>
      %max3A_692 = arith.maximumf %get3A_679, %max3A_614 : vector<16xf32>
      %max3A_693 = arith.maximumf %min3A_686, %max3A_615 : vector<16xf32>
      %get3A_694 = arith.constant 8 : i32
      %get3A_695 = arith.index_cast %get3A_694 : i32 to index
      %get3A_696 = arith.index_cast %add3A_30 : i32 to index
      %get3A_697 = tpu.vector_load %arg6[%get3A_695, %get3A_696] {strides = array<i32>} : memref<16x1024xf32, #tpu.memory_space<vmem>>, vector<1x16xf32>,
      %get3A_698 = vector.shape_cast %get3A_697 : vector<1x16xf32> to vector<16xf32>
      %get3A_699 = arith.constant 8 : i32
      %get3A_700 = arith.index_cast %get3A_699 : i32 to index
      %get3A_701 = arith.index_cast %add3A_30 : i32 to index
      %get3A_702 = tpu.vector_load %arg7[%get3A_700, %get3A_701] {strides = array<i32>} : memref<16x1024xf32, #tpu.memory_space<vmem>>, vector<1x16xf32>,
      %get3A_703 = vector.shape_cast %get3A_702 : vector<1x16xf32> to vector<16xf32>
      %gt3A_704 = arith.cmpf ogt, %get3A_698, %max3A_633 : vector<16xf32>
      %min3A_705 = arith.minimumf %get3A_698, %max3A_633 : vector<16xf32>
      %gt3A_706 = arith.cmpf ogt, %min3A_705, %max3A_634 : vector<16xf32>
      %select_n3A_707 = arith.select %gt3A_704, %broadcast_in_dim3A_655, %select_n3A_629 : vector<16xi1>, vector<16xi32>
      %select_n3A_708 = arith.select %gt3A_704, %select_n3A_629, %broadcast_in_dim3A_655 : vector<16xi1>, vector<16xi32>
      %select_n3A_709 = arith.select %gt3A_706, %select_n3A_708, %select_n3A_631 : vector<16xi1>, vector<16xi32>
      %select_n3A_710 = arith.select %gt3A_704, %get3A_703, %select_n3A_632 : vector<16xi1>, vector<16xf32>
      %max3A_711 = arith.maximumf %get3A_698, %max3A_633 : vector<16xf32>
      %max3A_712 = arith.maximumf %min3A_705, %max3A_634 : vector<16xf32>
      %get3A_713 = arith.constant 8 : i32
      %get3A_714 = arith.index_cast %get3A_713 : i32 to index
      %get3A_715 = arith.index_cast %add3A_34 : i32 to index
      %get3A_716 = tpu.vector_load %arg6[%get3A_714, %get3A_715] {strides = array<i32>} : memref<16x1024xf32, #tpu.memory_space<vmem>>, vector<1x16xf32>,
      %get3A_717 = vector.shape_cast %get3A_716 : vector<1x16xf32> to vector<16xf32>
      %get3A_718 = arith.constant 8 : i32
      %get3A_719 = arith.index_cast %get3A_718 : i32 to index
      %get3A_720 = arith.index_cast %add3A_34 : i32 to index
      %get3A_721 = tpu.vector_load %arg7[%get3A_719, %get3A_720] {strides = array<i32>} : memref<16x1024xf32, #tpu.memory_space<vmem>>, vector<1x16xf32>,
      %get3A_722 = vector.shape_cast %get3A_721 : vector<1x16xf32> to vector<16xf32>
      %gt3A_723 = arith.cmpf ogt, %get3A_717, %max3A_652 : vector<16xf32>
      %min3A_724 = arith.minimumf %get3A_717, %max3A_652 : vector<16xf32>
      %gt3A_725 = arith.cmpf ogt, %min3A_724, %max3A_653 : vector<16xf32>
      %select_n3A_726 = arith.select %gt3A_723, %broadcast_in_dim3A_655, %select_n3A_648 : vector<16xi1>, vector<16xi32>
      %select_n3A_727 = arith.select %gt3A_723, %select_n3A_648, %broadcast_in_dim3A_655 : vector<16xi1>, vector<16xi32>
      %select_n3A_728 = arith.select %gt3A_725, %select_n3A_727, %select_n3A_650 : vector<16xi1>, vector<16xi32>
      %select_n3A_729 = arith.select %gt3A_723, %get3A_722, %select_n3A_651 : vector<16xi1>, vector<16xf32>
      %max3A_730 = arith.maximumf %get3A_717, %max3A_652 : vector<16xf32>
      %max3A_731 = arith.maximumf %min3A_724, %max3A_653 : vector<16xf32>
      %broadcast_in_dim3A_732 = arith.constant 9 : i32
      %broadcast_in_dim3A_733 = vector.broadcast %broadcast_in_dim3A_732 : i32 to vector<16xi32>
      %get3A_734 = arith.constant 9 : i32
      %get3A_735 = arith.index_cast %get3A_734 : i32 to index
      %get3A_736 = arith.index_cast %add3A_22 : i32 to index
      %get3A_737 = tpu.vector_load %arg6[%get3A_735, %get3A_736] {strides = array<i32>} : memref<16x1024xf32, #tpu.memory_space<vmem>>, vector<1x16xf32>,
      %get3A_738 = vector.shape_cast %get3A_737 : vector<1x16xf32> to vector<16xf32>
      %get3A_739 = arith.constant 9 : i32
      %get3A_740 = arith.index_cast %get3A_739 : i32 to index
      %get3A_741 = arith.index_cast %add3A_22 : i32 to index
      %get3A_742 = tpu.vector_load %arg7[%get3A_740, %get3A_741] {strides = array<i32>} : memref<16x1024xf32, #tpu.memory_space<vmem>>, vector<1x16xf32>,
      %get3A_743 = vector.shape_cast %get3A_742 : vector<1x16xf32> to vector<16xf32>
      %gt3A_744 = arith.cmpf ogt, %get3A_738, %max3A_673 : vector<16xf32>
      %min3A_745 = arith.minimumf %get3A_738, %max3A_673 : vector<16xf32>
      %gt3A_746 = arith.cmpf ogt, %min3A_745, %max3A_674 : vector<16xf32>
      %select_n3A_747 = arith.select %gt3A_744, %broadcast_in_dim3A_733, %select_n3A_669 : vector<16xi1>, vector<16xi32>
      %select_n3A_748 = arith.select %gt3A_744, %select_n3A_669, %broadcast_in_dim3A_733 : vector<16xi1>, vector<16xi32>
      %select_n3A_749 = arith.select %gt3A_746, %select_n3A_748, %select_n3A_671 : vector<16xi1>, vector<16xi32>
      %select_n3A_750 = arith.select %gt3A_744, %get3A_743, %select_n3A_672 : vector<16xi1>, vector<16xf32>
      %max3A_751 = arith.maximumf %get3A_738, %max3A_673 : vector<16xf32>
      %max3A_752 = arith.maximumf %min3A_745, %max3A_674 : vector<16xf32>
      %get3A_753 = arith.constant 9 : i32
      %get3A_754 = arith.index_cast %get3A_753 : i32 to index
      %get3A_755 = arith.index_cast %add3A_26 : i32 to index
      %get3A_756 = tpu.vector_load %arg6[%get3A_754, %get3A_755] {strides = array<i32>} : memref<16x1024xf32, #tpu.memory_space<vmem>>, vector<1x16xf32>,
      %get3A_757 = vector.shape_cast %get3A_756 : vector<1x16xf32> to vector<16xf32>
      %get3A_758 = arith.constant 9 : i32
      %get3A_759 = arith.index_cast %get3A_758 : i32 to index
      %get3A_760 = arith.index_cast %add3A_26 : i32 to index
      %get3A_761 = tpu.vector_load %arg7[%get3A_759, %get3A_760] {strides = array<i32>} : memref<16x1024xf32, #tpu.memory_space<vmem>>, vector<1x16xf32>,
      %get3A_762 = vector.shape_cast %get3A_761 : vector<1x16xf32> to vector<16xf32>
      %gt3A_763 = arith.cmpf ogt, %get3A_757, %max3A_692 : vector<16xf32>
      %min3A_764 = arith.minimumf %get3A_757, %max3A_692 : vector<16xf32>
      %gt3A_765 = arith.cmpf ogt, %min3A_764, %max3A_693 : vector<16xf32>
      %select_n3A_766 = arith.select %gt3A_763, %broadcast_in_dim3A_733, %select_n3A_688 : vector<16xi1>, vector<16xi32>
      %select_n3A_767 = arith.select %gt3A_763, %select_n3A_688, %broadcast_in_dim3A_733 : vector<16xi1>, vector<16xi32>
      %select_n3A_768 = arith.select %gt3A_765, %select_n3A_767, %select_n3A_690 : vector<16xi1>, vector<16xi32>
      %select_n3A_769 = arith.select %gt3A_763, %get3A_762, %select_n3A_691 : vector<16xi1>, vector<16xf32>
      %max3A_770 = arith.maximumf %get3A_757, %max3A_692 : vector<16xf32>
      %max3A_771 = arith.maximumf %min3A_764, %max3A_693 : vector<16xf32>
      %get3A_772 = arith.constant 9 : i32
      %get3A_773 = arith.index_cast %get3A_772 : i32 to index
      %get3A_774 = arith.index_cast %add3A_30 : i32 to index
      %get3A_775 = tpu.vector_load %arg6[%get3A_773, %get3A_774] {strides = array<i32>} : memref<16x1024xf32, #tpu.memory_space<vmem>>, vector<1x16xf32>,
      %get3A_776 = vector.shape_cast %get3A_775 : vector<1x16xf32> to vector<16xf32>
      %get3A_777 = arith.constant 9 : i32
      %get3A_778 = arith.index_cast %get3A_777 : i32 to index
      %get3A_779 = arith.index_cast %add3A_30 : i32 to index
      %get3A_780 = tpu.vector_load %arg7[%get3A_778, %get3A_779] {strides = array<i32>} : memref<16x1024xf32, #tpu.memory_space<vmem>>, vector<1x16xf32>,
      %get3A_781 = vector.shape_cast %get3A_780 : vector<1x16xf32> to vector<16xf32>
      %gt3A_782 = arith.cmpf ogt, %get3A_776, %max3A_711 : vector<16xf32>
      %min3A_783 = arith.minimumf %get3A_776, %max3A_711 : vector<16xf32>
      %gt3A_784 = arith.cmpf ogt, %min3A_783, %max3A_712 : vector<16xf32>
      %select_n3A_785 = arith.select %gt3A_782, %broadcast_in_dim3A_733, %select_n3A_707 : vector<16xi1>, vector<16xi32>
      %select_n3A_786 = arith.select %gt3A_782, %select_n3A_707, %broadcast_in_dim3A_733 : vector<16xi1>, vector<16xi32>
      %select_n3A_787 = arith.select %gt3A_784, %select_n3A_786, %select_n3A_709 : vector<16xi1>, vector<16xi32>
      %select_n3A_788 = arith.select %gt3A_782, %get3A_781, %select_n3A_710 : vector<16xi1>, vector<16xf32>
      %max3A_789 = arith.maximumf %get3A_776, %max3A_711 : vector<16xf32>
      %max3A_790 = arith.maximumf %min3A_783, %max3A_712 : vector<16xf32>
      %get3A_791 = arith.constant 9 : i32
      %get3A_792 = arith.index_cast %get3A_791 : i32 to index
      %get3A_793 = arith.index_cast %add3A_34 : i32 to index
      %get3A_794 = tpu.vector_load %arg6[%get3A_792, %get3A_793] {strides = array<i32>} : memref<16x1024xf32, #tpu.memory_space<vmem>>, vector<1x16xf32>,
      %get3A_795 = vector.shape_cast %get3A_794 : vector<1x16xf32> to vector<16xf32>
      %get3A_796 = arith.constant 9 : i32
      %get3A_797 = arith.index_cast %get3A_796 : i32 to index
      %get3A_798 = arith.index_cast %add3A_34 : i32 to index
      %get3A_799 = tpu.vector_load %arg7[%get3A_797, %get3A_798] {strides = array<i32>} : memref<16x1024xf32, #tpu.memory_space<vmem>>, vector<1x16xf32>,
      %get3A_800 = vector.shape_cast %get3A_799 : vector<1x16xf32> to vector<16xf32>
      %gt3A_801 = arith.cmpf ogt, %get3A_795, %max3A_730 : vector<16xf32>
      %min3A_802 = arith.minimumf %get3A_795, %max3A_730 : vector<16xf32>
      %gt3A_803 = arith.cmpf ogt, %min3A_802, %max3A_731 : vector<16xf32>
      %select_n3A_804 = arith.select %gt3A_801, %broadcast_in_dim3A_733, %select_n3A_726 : vector<16xi1>, vector<16xi32>
      %select_n3A_805 = arith.select %gt3A_801, %select_n3A_726, %broadcast_in_dim3A_733 : vector<16xi1>, vector<16xi32>
      %select_n3A_806 = arith.select %gt3A_803, %select_n3A_805, %select_n3A_728 : vector<16xi1>, vector<16xi32>
      %select_n3A_807 = arith.select %gt3A_801, %get3A_800, %select_n3A_729 : vector<16xi1>, vector<16xf32>
      %max3A_808 = arith.maximumf %get3A_795, %max3A_730 : vector<16xf32>
      %max3A_809 = arith.maximumf %min3A_802, %max3A_731 : vector<16xf32>
      %broadcast_in_dim3A_810 = arith.constant 10 : i32
      %broadcast_in_dim3A_811 = vector.broadcast %broadcast_in_dim3A_810 : i32 to vector<16xi32>
      %get3A_812 = arith.constant 10 : i32
      %get3A_813 = arith.index_cast %get3A_812 : i32 to index
      %get3A_814 = arith.index_cast %add3A_22 : i32 to index
      %get3A_815 = tpu.vector_load %arg6[%get3A_813, %get3A_814] {strides = array<i32>} : memref<16x1024xf32, #tpu.memory_space<vmem>>, vector<1x16xf32>,
      %get3A_816 = vector.shape_cast %get3A_815 : vector<1x16xf32> to vector<16xf32>
      %get3A_817 = arith.constant 10 : i32
      %get3A_818 = arith.index_cast %get3A_817 : i32 to index
      %get3A_819 = arith.index_cast %add3A_22 : i32 to index
      %get3A_820 = tpu.vector_load %arg7[%get3A_818, %get3A_819] {strides = array<i32>} : memref<16x1024xf32, #tpu.memory_space<vmem>>, vector<1x16xf32>,
      %get3A_821 = vector.shape_cast %get3A_820 : vector<1x16xf32> to vector<16xf32>
      %gt3A_822 = arith.cmpf ogt, %get3A_816, %max3A_751 : vector<16xf32>
      %min3A_823 = arith.minimumf %get3A_816, %max3A_751 : vector<16xf32>
      %gt3A_824 = arith.cmpf ogt, %min3A_823, %max3A_752 : vector<16xf32>
      %select_n3A_825 = arith.select %gt3A_822, %broadcast_in_dim3A_811, %select_n3A_747 : vector<16xi1>, vector<16xi32>
      %select_n3A_826 = arith.select %gt3A_822, %select_n3A_747, %broadcast_in_dim3A_811 : vector<16xi1>, vector<16xi32>
      %select_n3A_827 = arith.select %gt3A_824, %select_n3A_826, %select_n3A_749 : vector<16xi1>, vector<16xi32>
      %select_n3A_828 = arith.select %gt3A_822, %get3A_821, %select_n3A_750 : vector<16xi1>, vector<16xf32>
      %max3A_829 = arith.maximumf %get3A_816, %max3A_751 : vector<16xf32>
      %max3A_830 = arith.maximumf %min3A_823, %max3A_752 : vector<16xf32>
      %get3A_831 = arith.constant 10 : i32
      %get3A_832 = arith.index_cast %get3A_831 : i32 to index
      %get3A_833 = arith.index_cast %add3A_26 : i32 to index
      %get3A_834 = tpu.vector_load %arg6[%get3A_832, %get3A_833] {strides = array<i32>} : memref<16x1024xf32, #tpu.memory_space<vmem>>, vector<1x16xf32>,
      %get3A_835 = vector.shape_cast %get3A_834 : vector<1x16xf32> to vector<16xf32>
      %get3A_836 = arith.constant 10 : i32
      %get3A_837 = arith.index_cast %get3A_836 : i32 to index
      %get3A_838 = arith.index_cast %add3A_26 : i32 to index
      %get3A_839 = tpu.vector_load %arg7[%get3A_837, %get3A_838] {strides = array<i32>} : memref<16x1024xf32, #tpu.memory_space<vmem>>, vector<1x16xf32>,
      %get3A_840 = vector.shape_cast %get3A_839 : vector<1x16xf32> to vector<16xf32>
      %gt3A_841 = arith.cmpf ogt, %get3A_835, %max3A_770 : vector<16xf32>
      %min3A_842 = arith.minimumf %get3A_835, %max3A_770 : vector<16xf32>
      %gt3A_843 = arith.cmpf ogt, %min3A_842, %max3A_771 : vector<16xf32>
      %select_n3A_844 = arith.select %gt3A_841, %broadcast_in_dim3A_811, %select_n3A_766 : vector<16xi1>, vector<16xi32>
      %select_n3A_845 = arith.select %gt3A_841, %select_n3A_766, %broadcast_in_dim3A_811 : vector<16xi1>, vector<16xi32>
      %select_n3A_846 = arith.select %gt3A_843, %select_n3A_845, %select_n3A_768 : vector<16xi1>, vector<16xi32>
      %select_n3A_847 = arith.select %gt3A_841, %get3A_840, %select_n3A_769 : vector<16xi1>, vector<16xf32>
      %max3A_848 = arith.maximumf %get3A_835, %max3A_770 : vector<16xf32>
      %max3A_849 = arith.maximumf %min3A_842, %max3A_771 : vector<16xf32>
      %get3A_850 = arith.constant 10 : i32
      %get3A_851 = arith.index_cast %get3A_850 : i32 to index
      %get3A_852 = arith.index_cast %add3A_30 : i32 to index
      %get3A_853 = tpu.vector_load %arg6[%get3A_851, %get3A_852] {strides = array<i32>} : memref<16x1024xf32, #tpu.memory_space<vmem>>, vector<1x16xf32>,
      %get3A_854 = vector.shape_cast %get3A_853 : vector<1x16xf32> to vector<16xf32>
      %get3A_855 = arith.constant 10 : i32
      %get3A_856 = arith.index_cast %get3A_855 : i32 to index
      %get3A_857 = arith.index_cast %add3A_30 : i32 to index
      %get3A_858 = tpu.vector_load %arg7[%get3A_856, %get3A_857] {strides = array<i32>} : memref<16x1024xf32, #tpu.memory_space<vmem>>, vector<1x16xf32>,
      %get3A_859 = vector.shape_cast %get3A_858 : vector<1x16xf32> to vector<16xf32>
      %gt3A_860 = arith.cmpf ogt, %get3A_854, %max3A_789 : vector<16xf32>
      %min3A_861 = arith.minimumf %get3A_854, %max3A_789 : vector<16xf32>
      %gt3A_862 = arith.cmpf ogt, %min3A_861, %max3A_790 : vector<16xf32>
      %select_n3A_863 = arith.select %gt3A_860, %broadcast_in_dim3A_811, %select_n3A_785 : vector<16xi1>, vector<16xi32>
      %select_n3A_864 = arith.select %gt3A_860, %select_n3A_785, %broadcast_in_dim3A_811 : vector<16xi1>, vector<16xi32>
      %select_n3A_865 = arith.select %gt3A_862, %select_n3A_864, %select_n3A_787 : vector<16xi1>, vector<16xi32>
      %select_n3A_866 = arith.select %gt3A_860, %get3A_859, %select_n3A_788 : vector<16xi1>, vector<16xf32>
      %max3A_867 = arith.maximumf %get3A_854, %max3A_789 : vector<16xf32>
      %max3A_868 = arith.maximumf %min3A_861, %max3A_790 : vector<16xf32>
      %get3A_869 = arith.constant 10 : i32
      %get3A_870 = arith.index_cast %get3A_869 : i32 to index
      %get3A_871 = arith.index_cast %add3A_34 : i32 to index
      %get3A_872 = tpu.vector_load %arg6[%get3A_870, %get3A_871] {strides = array<i32>} : memref<16x1024xf32, #tpu.memory_space<vmem>>, vector<1x16xf32>,
      %get3A_873 = vector.shape_cast %get3A_872 : vector<1x16xf32> to vector<16xf32>
      %get3A_874 = arith.constant 10 : i32
      %get3A_875 = arith.index_cast %get3A_874 : i32 to index
      %get3A_876 = arith.index_cast %add3A_34 : i32 to index
      %get3A_877 = tpu.vector_load %arg7[%get3A_875, %get3A_876] {strides = array<i32>} : memref<16x1024xf32, #tpu.memory_space<vmem>>, vector<1x16xf32>,
      %get3A_878 = vector.shape_cast %get3A_877 : vector<1x16xf32> to vector<16xf32>
      %gt3A_879 = arith.cmpf ogt, %get3A_873, %max3A_808 : vector<16xf32>
      %min3A_880 = arith.minimumf %get3A_873, %max3A_808 : vector<16xf32>
      %gt3A_881 = arith.cmpf ogt, %min3A_880, %max3A_809 : vector<16xf32>
      %select_n3A_882 = arith.select %gt3A_879, %broadcast_in_dim3A_811, %select_n3A_804 : vector<16xi1>, vector<16xi32>
      %select_n3A_883 = arith.select %gt3A_879, %select_n3A_804, %broadcast_in_dim3A_811 : vector<16xi1>, vector<16xi32>
      %select_n3A_884 = arith.select %gt3A_881, %select_n3A_883, %select_n3A_806 : vector<16xi1>, vector<16xi32>
      %select_n3A_885 = arith.select %gt3A_879, %get3A_878, %select_n3A_807 : vector<16xi1>, vector<16xf32>
      %max3A_886 = arith.maximumf %get3A_873, %max3A_808 : vector<16xf32>
      %max3A_887 = arith.maximumf %min3A_880, %max3A_809 : vector<16xf32>
      %broadcast_in_dim3A_888 = arith.constant 11 : i32
      %broadcast_in_dim3A_889 = vector.broadcast %broadcast_in_dim3A_888 : i32 to vector<16xi32>
      %get3A_890 = arith.constant 11 : i32
      %get3A_891 = arith.index_cast %get3A_890 : i32 to index
      %get3A_892 = arith.index_cast %add3A_22 : i32 to index
      %get3A_893 = tpu.vector_load %arg6[%get3A_891, %get3A_892] {strides = array<i32>} : memref<16x1024xf32, #tpu.memory_space<vmem>>, vector<1x16xf32>,
      %get3A_894 = vector.shape_cast %get3A_893 : vector<1x16xf32> to vector<16xf32>
      %get3A_895 = arith.constant 11 : i32
      %get3A_896 = arith.index_cast %get3A_895 : i32 to index
      %get3A_897 = arith.index_cast %add3A_22 : i32 to index
      %get3A_898 = tpu.vector_load %arg7[%get3A_896, %get3A_897] {strides = array<i32>} : memref<16x1024xf32, #tpu.memory_space<vmem>>, vector<1x16xf32>,
      %get3A_899 = vector.shape_cast %get3A_898 : vector<1x16xf32> to vector<16xf32>
      %gt3A_900 = arith.cmpf ogt, %get3A_894, %max3A_829 : vector<16xf32>
      %min3A_901 = arith.minimumf %get3A_894, %max3A_829 : vector<16xf32>
      %gt3A_902 = arith.cmpf ogt, %min3A_901, %max3A_830 : vector<16xf32>
      %select_n3A_903 = arith.select %gt3A_900, %broadcast_in_dim3A_889, %select_n3A_825 : vector<16xi1>, vector<16xi32>
      %select_n3A_904 = arith.select %gt3A_900, %select_n3A_825, %broadcast_in_dim3A_889 : vector<16xi1>, vector<16xi32>
      %select_n3A_905 = arith.select %gt3A_902, %select_n3A_904, %select_n3A_827 : vector<16xi1>, vector<16xi32>
      %select_n3A_906 = arith.select %gt3A_900, %get3A_899, %select_n3A_828 : vector<16xi1>, vector<16xf32>
      %max3A_907 = arith.maximumf %get3A_894, %max3A_829 : vector<16xf32>
      %max3A_908 = arith.maximumf %min3A_901, %max3A_830 : vector<16xf32>
      %get3A_909 = arith.constant 11 : i32
      %get3A_910 = arith.index_cast %get3A_909 : i32 to index
      %get3A_911 = arith.index_cast %add3A_26 : i32 to index
      %get3A_912 = tpu.vector_load %arg6[%get3A_910, %get3A_911] {strides = array<i32>} : memref<16x1024xf32, #tpu.memory_space<vmem>>, vector<1x16xf32>,
      %get3A_913 = vector.shape_cast %get3A_912 : vector<1x16xf32> to vector<16xf32>
      %get3A_914 = arith.constant 11 : i32
      %get3A_915 = arith.index_cast %get3A_914 : i32 to index
      %get3A_916 = arith.index_cast %add3A_26 : i32 to index
      %get3A_917 = tpu.vector_load %arg7[%get3A_915, %get3A_916] {strides = array<i32>} : memref<16x1024xf32, #tpu.memory_space<vmem>>, vector<1x16xf32>,
      %get3A_918 = vector.shape_cast %get3A_917 : vector<1x16xf32> to vector<16xf32>
      %gt3A_919 = arith.cmpf ogt, %get3A_913, %max3A_848 : vector<16xf32>
      %min3A_920 = arith.minimumf %get3A_913, %max3A_848 : vector<16xf32>
      %gt3A_921 = arith.cmpf ogt, %min3A_920, %max3A_849 : vector<16xf32>
      %select_n3A_922 = arith.select %gt3A_919, %broadcast_in_dim3A_889, %select_n3A_844 : vector<16xi1>, vector<16xi32>
      %select_n3A_923 = arith.select %gt3A_919, %select_n3A_844, %broadcast_in_dim3A_889 : vector<16xi1>, vector<16xi32>
      %select_n3A_924 = arith.select %gt3A_921, %select_n3A_923, %select_n3A_846 : vector<16xi1>, vector<16xi32>
      %select_n3A_925 = arith.select %gt3A_919, %get3A_918, %select_n3A_847 : vector<16xi1>, vector<16xf32>
      %max3A_926 = arith.maximumf %get3A_913, %max3A_848 : vector<16xf32>
      %max3A_927 = arith.maximumf %min3A_920, %max3A_849 : vector<16xf32>
      %get3A_928 = arith.constant 11 : i32
      %get3A_929 = arith.index_cast %get3A_928 : i32 to index
      %get3A_930 = arith.index_cast %add3A_30 : i32 to index
      %get3A_931 = tpu.vector_load %arg6[%get3A_929, %get3A_930] {strides = array<i32>} : memref<16x1024xf32, #tpu.memory_space<vmem>>, vector<1x16xf32>,
      %get3A_932 = vector.shape_cast %get3A_931 : vector<1x16xf32> to vector<16xf32>
      %get3A_933 = arith.constant 11 : i32
      %get3A_934 = arith.index_cast %get3A_933 : i32 to index
      %get3A_935 = arith.index_cast %add3A_30 : i32 to index
      %get3A_936 = tpu.vector_load %arg7[%get3A_934, %get3A_935] {strides = array<i32>} : memref<16x1024xf32, #tpu.memory_space<vmem>>, vector<1x16xf32>,
      %get3A_937 = vector.shape_cast %get3A_936 : vector<1x16xf32> to vector<16xf32>
      %gt3A_938 = arith.cmpf ogt, %get3A_932, %max3A_867 : vector<16xf32>
      %min3A_939 = arith.minimumf %get3A_932, %max3A_867 : vector<16xf32>
      %gt3A_940 = arith.cmpf ogt, %min3A_939, %max3A_868 : vector<16xf32>
      %select_n3A_941 = arith.select %gt3A_938, %broadcast_in_dim3A_889, %select_n3A_863 : vector<16xi1>, vector<16xi32>
      %select_n3A_942 = arith.select %gt3A_938, %select_n3A_863, %broadcast_in_dim3A_889 : vector<16xi1>, vector<16xi32>
      %select_n3A_943 = arith.select %gt3A_940, %select_n3A_942, %select_n3A_865 : vector<16xi1>, vector<16xi32>
      %select_n3A_944 = arith.select %gt3A_938, %get3A_937, %select_n3A_866 : vector<16xi1>, vector<16xf32>
      %max3A_945 = arith.maximumf %get3A_932, %max3A_867 : vector<16xf32>
      %max3A_946 = arith.maximumf %min3A_939, %max3A_868 : vector<16xf32>
      %get3A_947 = arith.constant 11 : i32
      %get3A_948 = arith.index_cast %get3A_947 : i32 to index
      %get3A_949 = arith.index_cast %add3A_34 : i32 to index
      %get3A_950 = tpu.vector_load %arg6[%get3A_948, %get3A_949] {strides = array<i32>} : memref<16x1024xf32, #tpu.memory_space<vmem>>, vector<1x16xf32>,
      %get3A_951 = vector.shape_cast %get3A_950 : vector<1x16xf32> to vector<16xf32>
      %get3A_952 = arith.constant 11 : i32
      %get3A_953 = arith.index_cast %get3A_952 : i32 to index
      %get3A_954 = arith.index_cast %add3A_34 : i32 to index
      %get3A_955 = tpu.vector_load %arg7[%get3A_953, %get3A_954] {strides = array<i32>} : memref<16x1024xf32, #tpu.memory_space<vmem>>, vector<1x16xf32>,
      %get3A_956 = vector.shape_cast %get3A_955 : vector<1x16xf32> to vector<16xf32>
      %gt3A_957 = arith.cmpf ogt, %get3A_951, %max3A_886 : vector<16xf32>
      %min3A_958 = arith.minimumf %get3A_951, %max3A_886 : vector<16xf32>
      %gt3A_959 = arith.cmpf ogt, %min3A_958, %max3A_887 : vector<16xf32>
      %select_n3A_960 = arith.select %gt3A_957, %broadcast_in_dim3A_889, %select_n3A_882 : vector<16xi1>, vector<16xi32>
      %select_n3A_961 = arith.select %gt3A_957, %select_n3A_882, %broadcast_in_dim3A_889 : vector<16xi1>, vector<16xi32>
      %select_n3A_962 = arith.select %gt3A_959, %select_n3A_961, %select_n3A_884 : vector<16xi1>, vector<16xi32>
      %select_n3A_963 = arith.select %gt3A_957, %get3A_956, %select_n3A_885 : vector<16xi1>, vector<16xf32>
      %max3A_964 = arith.maximumf %get3A_951, %max3A_886 : vector<16xf32>
      %max3A_965 = arith.maximumf %min3A_958, %max3A_887 : vector<16xf32>
      %broadcast_in_dim3A_966 = arith.constant 12 : i32
      %broadcast_in_dim3A_967 = vector.broadcast %broadcast_in_dim3A_966 : i32 to vector<16xi32>
      %get3A_968 = arith.constant 12 : i32
      %get3A_969 = arith.index_cast %get3A_968 : i32 to index
      %get3A_970 = arith.index_cast %add3A_22 : i32 to index
      %get3A_971 = tpu.vector_load %arg6[%get3A_969, %get3A_970] {strides = array<i32>} : memref<16x1024xf32, #tpu.memory_space<vmem>>, vector<1x16xf32>,
      %get3A_972 = vector.shape_cast %get3A_971 : vector<1x16xf32> to vector<16xf32>
      %get3A_973 = arith.constant 12 : i32
      %get3A_974 = arith.index_cast %get3A_973 : i32 to index
      %get3A_975 = arith.index_cast %add3A_22 : i32 to index
      %get3A_976 = tpu.vector_load %arg7[%get3A_974, %get3A_975] {strides = array<i32>} : memref<16x1024xf32, #tpu.memory_space<vmem>>, vector<1x16xf32>,
      %get3A_977 = vector.shape_cast %get3A_976 : vector<1x16xf32> to vector<16xf32>
      %gt3A_978 = arith.cmpf ogt, %get3A_972, %max3A_907 : vector<16xf32>
      %min3A_979 = arith.minimumf %get3A_972, %max3A_907 : vector<16xf32>
      %gt3A_980 = arith.cmpf ogt, %min3A_979, %max3A_908 : vector<16xf32>
      %select_n3A_981 = arith.select %gt3A_978, %broadcast_in_dim3A_967, %select_n3A_903 : vector<16xi1>, vector<16xi32>
      %select_n3A_982 = arith.select %gt3A_978, %select_n3A_903, %broadcast_in_dim3A_967 : vector<16xi1>, vector<16xi32>
      %select_n3A_983 = arith.select %gt3A_980, %select_n3A_982, %select_n3A_905 : vector<16xi1>, vector<16xi32>
      %select_n3A_984 = arith.select %gt3A_978, %get3A_977, %select_n3A_906 : vector<16xi1>, vector<16xf32>
      %max3A_985 = arith.maximumf %get3A_972, %max3A_907 : vector<16xf32>
      %max3A_986 = arith.maximumf %min3A_979, %max3A_908 : vector<16xf32>
      %get3A_987 = arith.constant 12 : i32
      %get3A_988 = arith.index_cast %get3A_987 : i32 to index
      %get3A_989 = arith.index_cast %add3A_26 : i32 to index
      %get3A_990 = tpu.vector_load %arg6[%get3A_988, %get3A_989] {strides = array<i32>} : memref<16x1024xf32, #tpu.memory_space<vmem>>, vector<1x16xf32>,
      %get3A_991 = vector.shape_cast %get3A_990 : vector<1x16xf32> to vector<16xf32>
      %get3A_992 = arith.constant 12 : i32
      %get3A_993 = arith.index_cast %get3A_992 : i32 to index
      %get3A_994 = arith.index_cast %add3A_26 : i32 to index
      %get3A_995 = tpu.vector_load %arg7[%get3A_993, %get3A_994] {strides = array<i32>} : memref<16x1024xf32, #tpu.memory_space<vmem>>, vector<1x16xf32>,
      %get3A_996 = vector.shape_cast %get3A_995 : vector<1x16xf32> to vector<16xf32>
      %gt3A_997 = arith.cmpf ogt, %get3A_991, %max3A_926 : vector<16xf32>
      %min3A_998 = arith.minimumf %get3A_991, %max3A_926 : vector<16xf32>
      %gt3A_999 = arith.cmpf ogt, %min3A_998, %max3A_927 : vector<16xf32>
      %select_n3A_1000 = arith.select %gt3A_997, %broadcast_in_dim3A_967, %select_n3A_922 : vector<16xi1>, vector<16xi32>
      %select_n3A_1001 = arith.select %gt3A_997, %select_n3A_922, %broadcast_in_dim3A_967 : vector<16xi1>, vector<16xi32>
      %select_n3A_1002 = arith.select %gt3A_999, %select_n3A_1001, %select_n3A_924 : vector<16xi1>, vector<16xi32>
      %select_n3A_1003 = arith.select %gt3A_997, %get3A_996, %select_n3A_925 : vector<16xi1>, vector<16xf32>
      %max3A_1004 = arith.maximumf %get3A_991, %max3A_926 : vector<16xf32>
      %max3A_1005 = arith.maximumf %min3A_998, %max3A_927 : vector<16xf32>
      %get3A_1006 = arith.constant 12 : i32
      %get3A_1007 = arith.index_cast %get3A_1006 : i32 to index
      %get3A_1008 = arith.index_cast %add3A_30 : i32 to index
      %get3A_1009 = tpu.vector_load %arg6[%get3A_1007, %get3A_1008] {strides = array<i32>} : memref<16x1024xf32, #tpu.memory_space<vmem>>, vector<1x16xf32>,
      %get3A_1010 = vector.shape_cast %get3A_1009 : vector<1x16xf32> to vector<16xf32>
      %get3A_1011 = arith.constant 12 : i32
      %get3A_1012 = arith.index_cast %get3A_1011 : i32 to index
      %get3A_1013 = arith.index_cast %add3A_30 : i32 to index
      %get3A_1014 = tpu.vector_load %arg7[%get3A_1012, %get3A_1013] {strides = array<i32>} : memref<16x1024xf32, #tpu.memory_space<vmem>>, vector<1x16xf32>,
      %get3A_1015 = vector.shape_cast %get3A_1014 : vector<1x16xf32> to vector<16xf32>
      %gt3A_1016 = arith.cmpf ogt, %get3A_1010, %max3A_945 : vector<16xf32>
      %min3A_1017 = arith.minimumf %get3A_1010, %max3A_945 : vector<16xf32>
      %gt3A_1018 = arith.cmpf ogt, %min3A_1017, %max3A_946 : vector<16xf32>
      %select_n3A_1019 = arith.select %gt3A_1016, %broadcast_in_dim3A_967, %select_n3A_941 : vector<16xi1>, vector<16xi32>
      %select_n3A_1020 = arith.select %gt3A_1016, %select_n3A_941, %broadcast_in_dim3A_967 : vector<16xi1>, vector<16xi32>
      %select_n3A_1021 = arith.select %gt3A_1018, %select_n3A_1020, %select_n3A_943 : vector<16xi1>, vector<16xi32>
      %select_n3A_1022 = arith.select %gt3A_1016, %get3A_1015, %select_n3A_944 : vector<16xi1>, vector<16xf32>
      %max3A_1023 = arith.maximumf %get3A_1010, %max3A_945 : vector<16xf32>
      %max3A_1024 = arith.maximumf %min3A_1017, %max3A_946 : vector<16xf32>
      %get3A_1025 = arith.constant 12 : i32
      %get3A_1026 = arith.index_cast %get3A_1025 : i32 to index
      %get3A_1027 = arith.index_cast %add3A_34 : i32 to index
      %get3A_1028 = tpu.vector_load %arg6[%get3A_1026, %get3A_1027] {strides = array<i32>} : memref<16x1024xf32, #tpu.memory_space<vmem>>, vector<1x16xf32>,
      %get3A_1029 = vector.shape_cast %get3A_1028 : vector<1x16xf32> to vector<16xf32>
      %get3A_1030 = arith.constant 12 : i32
      %get3A_1031 = arith.index_cast %get3A_1030 : i32 to index
      %get3A_1032 = arith.index_cast %add3A_34 : i32 to index
      %get3A_1033 = tpu.vector_load %arg7[%get3A_1031, %get3A_1032] {strides = array<i32>} : memref<16x1024xf32, #tpu.memory_space<vmem>>, vector<1x16xf32>,
      %get3A_1034 = vector.shape_cast %get3A_1033 : vector<1x16xf32> to vector<16xf32>
      %gt3A_1035 = arith.cmpf ogt, %get3A_1029, %max3A_964 : vector<16xf32>
      %min3A_1036 = arith.minimumf %get3A_1029, %max3A_964 : vector<16xf32>
      %gt3A_1037 = arith.cmpf ogt, %min3A_1036, %max3A_965 : vector<16xf32>
      %select_n3A_1038 = arith.select %gt3A_1035, %broadcast_in_dim3A_967, %select_n3A_960 : vector<16xi1>, vector<16xi32>
      %select_n3A_1039 = arith.select %gt3A_1035, %select_n3A_960, %broadcast_in_dim3A_967 : vector<16xi1>, vector<16xi32>
      %select_n3A_1040 = arith.select %gt3A_1037, %select_n3A_1039, %select_n3A_962 : vector<16xi1>, vector<16xi32>
      %select_n3A_1041 = arith.select %gt3A_1035, %get3A_1034, %select_n3A_963 : vector<16xi1>, vector<16xf32>
      %max3A_1042 = arith.maximumf %get3A_1029, %max3A_964 : vector<16xf32>
      %max3A_1043 = arith.maximumf %min3A_1036, %max3A_965 : vector<16xf32>
      %broadcast_in_dim3A_1044 = arith.constant 13 : i32
      %broadcast_in_dim3A_1045 = vector.broadcast %broadcast_in_dim3A_1044 : i32 to vector<16xi32>
      %get3A_1046 = arith.constant 13 : i32
      %get3A_1047 = arith.index_cast %get3A_1046 : i32 to index
      %get3A_1048 = arith.index_cast %add3A_22 : i32 to index
      %get3A_1049 = tpu.vector_load %arg6[%get3A_1047, %get3A_1048] {strides = array<i32>} : memref<16x1024xf32, #tpu.memory_space<vmem>>, vector<1x16xf32>,
      %get3A_1050 = vector.shape_cast %get3A_1049 : vector<1x16xf32> to vector<16xf32>
      %get3A_1051 = arith.constant 13 : i32
      %get3A_1052 = arith.index_cast %get3A_1051 : i32 to index
      %get3A_1053 = arith.index_cast %add3A_22 : i32 to index
      %get3A_1054 = tpu.vector_load %arg7[%get3A_1052, %get3A_1053] {strides = array<i32>} : memref<16x1024xf32, #tpu.memory_space<vmem>>, vector<1x16xf32>,
      %get3A_1055 = vector.shape_cast %get3A_1054 : vector<1x16xf32> to vector<16xf32>
      %gt3A_1056 = arith.cmpf ogt, %get3A_1050, %max3A_985 : vector<16xf32>
      %min3A_1057 = arith.minimumf %get3A_1050, %max3A_985 : vector<16xf32>
      %gt3A_1058 = arith.cmpf ogt, %min3A_1057, %max3A_986 : vector<16xf32>
      %select_n3A_1059 = arith.select %gt3A_1056, %broadcast_in_dim3A_1045, %select_n3A_981 : vector<16xi1>, vector<16xi32>
      %select_n3A_1060 = arith.select %gt3A_1056, %select_n3A_981, %broadcast_in_dim3A_1045 : vector<16xi1>, vector<16xi32>
      %select_n3A_1061 = arith.select %gt3A_1058, %select_n3A_1060, %select_n3A_983 : vector<16xi1>, vector<16xi32>
      %select_n3A_1062 = arith.select %gt3A_1056, %get3A_1055, %select_n3A_984 : vector<16xi1>, vector<16xf32>
      %max3A_1063 = arith.maximumf %get3A_1050, %max3A_985 : vector<16xf32>
      %max3A_1064 = arith.maximumf %min3A_1057, %max3A_986 : vector<16xf32>
      %get3A_1065 = arith.constant 13 : i32
      %get3A_1066 = arith.index_cast %get3A_1065 : i32 to index
      %get3A_1067 = arith.index_cast %add3A_26 : i32 to index
      %get3A_1068 = tpu.vector_load %arg6[%get3A_1066, %get3A_1067] {strides = array<i32>} : memref<16x1024xf32, #tpu.memory_space<vmem>>, vector<1x16xf32>,
      %get3A_1069 = vector.shape_cast %get3A_1068 : vector<1x16xf32> to vector<16xf32>
      %get3A_1070 = arith.constant 13 : i32
      %get3A_1071 = arith.index_cast %get3A_1070 : i32 to index
      %get3A_1072 = arith.index_cast %add3A_26 : i32 to index
      %get3A_1073 = tpu.vector_load %arg7[%get3A_1071, %get3A_1072] {strides = array<i32>} : memref<16x1024xf32, #tpu.memory_space<vmem>>, vector<1x16xf32>,
      %get3A_1074 = vector.shape_cast %get3A_1073 : vector<1x16xf32> to vector<16xf32>
      %gt3A_1075 = arith.cmpf ogt, %get3A_1069, %max3A_1004 : vector<16xf32>
      %min3A_1076 = arith.minimumf %get3A_1069, %max3A_1004 : vector<16xf32>
      %gt3A_1077 = arith.cmpf ogt, %min3A_1076, %max3A_1005 : vector<16xf32>
      %select_n3A_1078 = arith.select %gt3A_1075, %broadcast_in_dim3A_1045, %select_n3A_1000 : vector<16xi1>, vector<16xi32>
      %select_n3A_1079 = arith.select %gt3A_1075, %select_n3A_1000, %broadcast_in_dim3A_1045 : vector<16xi1>, vector<16xi32>
      %select_n3A_1080 = arith.select %gt3A_1077, %select_n3A_1079, %select_n3A_1002 : vector<16xi1>, vector<16xi32>
      %select_n3A_1081 = arith.select %gt3A_1075, %get3A_1074, %select_n3A_1003 : vector<16xi1>, vector<16xf32>
      %max3A_1082 = arith.maximumf %get3A_1069, %max3A_1004 : vector<16xf32>
      %max3A_1083 = arith.maximumf %min3A_1076, %max3A_1005 : vector<16xf32>
      %get3A_1084 = arith.constant 13 : i32
      %get3A_1085 = arith.index_cast %get3A_1084 : i32 to index
      %get3A_1086 = arith.index_cast %add3A_30 : i32 to index
      %get3A_1087 = tpu.vector_load %arg6[%get3A_1085, %get3A_1086] {strides = array<i32>} : memref<16x1024xf32, #tpu.memory_space<vmem>>, vector<1x16xf32>,
      %get3A_1088 = vector.shape_cast %get3A_1087 : vector<1x16xf32> to vector<16xf32>
      %get3A_1089 = arith.constant 13 : i32
      %get3A_1090 = arith.index_cast %get3A_1089 : i32 to index
      %get3A_1091 = arith.index_cast %add3A_30 : i32 to index
      %get3A_1092 = tpu.vector_load %arg7[%get3A_1090, %get3A_1091] {strides = array<i32>} : memref<16x1024xf32, #tpu.memory_space<vmem>>, vector<1x16xf32>,
      %get3A_1093 = vector.shape_cast %get3A_1092 : vector<1x16xf32> to vector<16xf32>
      %gt3A_1094 = arith.cmpf ogt, %get3A_1088, %max3A_1023 : vector<16xf32>
      %min3A_1095 = arith.minimumf %get3A_1088, %max3A_1023 : vector<16xf32>
      %gt3A_1096 = arith.cmpf ogt, %min3A_1095, %max3A_1024 : vector<16xf32>
      %select_n3A_1097 = arith.select %gt3A_1094, %broadcast_in_dim3A_1045, %select_n3A_1019 : vector<16xi1>, vector<16xi32>
      %select_n3A_1098 = arith.select %gt3A_1094, %select_n3A_1019, %broadcast_in_dim3A_1045 : vector<16xi1>, vector<16xi32>
      %select_n3A_1099 = arith.select %gt3A_1096, %select_n3A_1098, %select_n3A_1021 : vector<16xi1>, vector<16xi32>
      %select_n3A_1100 = arith.select %gt3A_1094, %get3A_1093, %select_n3A_1022 : vector<16xi1>, vector<16xf32>
      %max3A_1101 = arith.maximumf %get3A_1088, %max3A_1023 : vector<16xf32>
      %max3A_1102 = arith.maximumf %min3A_1095, %max3A_1024 : vector<16xf32>
      %get3A_1103 = arith.constant 13 : i32
      %get3A_1104 = arith.index_cast %get3A_1103 : i32 to index
      %get3A_1105 = arith.index_cast %add3A_34 : i32 to index
      %get3A_1106 = tpu.vector_load %arg6[%get3A_1104, %get3A_1105] {strides = array<i32>} : memref<16x1024xf32, #tpu.memory_space<vmem>>, vector<1x16xf32>,
      %get3A_1107 = vector.shape_cast %get3A_1106 : vector<1x16xf32> to vector<16xf32>
      %get3A_1108 = arith.constant 13 : i32
      %get3A_1109 = arith.index_cast %get3A_1108 : i32 to index
      %get3A_1110 = arith.index_cast %add3A_34 : i32 to index
      %get3A_1111 = tpu.vector_load %arg7[%get3A_1109, %get3A_1110] {strides = array<i32>} : memref<16x1024xf32, #tpu.memory_space<vmem>>, vector<1x16xf32>,
      %get3A_1112 = vector.shape_cast %get3A_1111 : vector<1x16xf32> to vector<16xf32>
      %gt3A_1113 = arith.cmpf ogt, %get3A_1107, %max3A_1042 : vector<16xf32>
      %min3A_1114 = arith.minimumf %get3A_1107, %max3A_1042 : vector<16xf32>
      %gt3A_1115 = arith.cmpf ogt, %min3A_1114, %max3A_1043 : vector<16xf32>
      %select_n3A_1116 = arith.select %gt3A_1113, %broadcast_in_dim3A_1045, %select_n3A_1038 : vector<16xi1>, vector<16xi32>
      %select_n3A_1117 = arith.select %gt3A_1113, %select_n3A_1038, %broadcast_in_dim3A_1045 : vector<16xi1>, vector<16xi32>
      %select_n3A_1118 = arith.select %gt3A_1115, %select_n3A_1117, %select_n3A_1040 : vector<16xi1>, vector<16xi32>
      %select_n3A_1119 = arith.select %gt3A_1113, %get3A_1112, %select_n3A_1041 : vector<16xi1>, vector<16xf32>
      %max3A_1120 = arith.maximumf %get3A_1107, %max3A_1042 : vector<16xf32>
      %max3A_1121 = arith.maximumf %min3A_1114, %max3A_1043 : vector<16xf32>
      %broadcast_in_dim3A_1122 = arith.constant 14 : i32
      %broadcast_in_dim3A_1123 = vector.broadcast %broadcast_in_dim3A_1122 : i32 to vector<16xi32>
      %get3A_1124 = arith.constant 14 : i32
      %get3A_1125 = arith.index_cast %get3A_1124 : i32 to index
      %get3A_1126 = arith.index_cast %add3A_22 : i32 to index
      %get3A_1127 = tpu.vector_load %arg6[%get3A_1125, %get3A_1126] {strides = array<i32>} : memref<16x1024xf32, #tpu.memory_space<vmem>>, vector<1x16xf32>,
      %get3A_1128 = vector.shape_cast %get3A_1127 : vector<1x16xf32> to vector<16xf32>
      %get3A_1129 = arith.constant 14 : i32
      %get3A_1130 = arith.index_cast %get3A_1129 : i32 to index
      %get3A_1131 = arith.index_cast %add3A_22 : i32 to index
      %get3A_1132 = tpu.vector_load %arg7[%get3A_1130, %get3A_1131] {strides = array<i32>} : memref<16x1024xf32, #tpu.memory_space<vmem>>, vector<1x16xf32>,
      %get3A_1133 = vector.shape_cast %get3A_1132 : vector<1x16xf32> to vector<16xf32>
      %gt3A_1134 = arith.cmpf ogt, %get3A_1128, %max3A_1063 : vector<16xf32>
      %min3A_1135 = arith.minimumf %get3A_1128, %max3A_1063 : vector<16xf32>
      %gt3A_1136 = arith.cmpf ogt, %min3A_1135, %max3A_1064 : vector<16xf32>
      %select_n3A_1137 = arith.select %gt3A_1134, %broadcast_in_dim3A_1123, %select_n3A_1059 : vector<16xi1>, vector<16xi32>
      %select_n3A_1138 = arith.select %gt3A_1134, %select_n3A_1059, %broadcast_in_dim3A_1123 : vector<16xi1>, vector<16xi32>
      %select_n3A_1139 = arith.select %gt3A_1136, %select_n3A_1138, %select_n3A_1061 : vector<16xi1>, vector<16xi32>
      %select_n3A_1140 = arith.select %gt3A_1134, %get3A_1133, %select_n3A_1062 : vector<16xi1>, vector<16xf32>
      %max3A_1141 = arith.maximumf %get3A_1128, %max3A_1063 : vector<16xf32>
      %max3A_1142 = arith.maximumf %min3A_1135, %max3A_1064 : vector<16xf32>
      %get3A_1143 = arith.constant 14 : i32
      %get3A_1144 = arith.index_cast %get3A_1143 : i32 to index
      %get3A_1145 = arith.index_cast %add3A_26 : i32 to index
      %get3A_1146 = tpu.vector_load %arg6[%get3A_1144, %get3A_1145] {strides = array<i32>} : memref<16x1024xf32, #tpu.memory_space<vmem>>, vector<1x16xf32>,
      %get3A_1147 = vector.shape_cast %get3A_1146 : vector<1x16xf32> to vector<16xf32>
      %get3A_1148 = arith.constant 14 : i32
      %get3A_1149 = arith.index_cast %get3A_1148 : i32 to index
      %get3A_1150 = arith.index_cast %add3A_26 : i32 to index
      %get3A_1151 = tpu.vector_load %arg7[%get3A_1149, %get3A_1150] {strides = array<i32>} : memref<16x1024xf32, #tpu.memory_space<vmem>>, vector<1x16xf32>,
      %get3A_1152 = vector.shape_cast %get3A_1151 : vector<1x16xf32> to vector<16xf32>
      %gt3A_1153 = arith.cmpf ogt, %get3A_1147, %max3A_1082 : vector<16xf32>
      %min3A_1154 = arith.minimumf %get3A_1147, %max3A_1082 : vector<16xf32>
      %gt3A_1155 = arith.cmpf ogt, %min3A_1154, %max3A_1083 : vector<16xf32>
      %select_n3A_1156 = arith.select %gt3A_1153, %broadcast_in_dim3A_1123, %select_n3A_1078 : vector<16xi1>, vector<16xi32>
      %select_n3A_1157 = arith.select %gt3A_1153, %select_n3A_1078, %broadcast_in_dim3A_1123 : vector<16xi1>, vector<16xi32>
      %select_n3A_1158 = arith.select %gt3A_1155, %select_n3A_1157, %select_n3A_1080 : vector<16xi1>, vector<16xi32>
      %select_n3A_1159 = arith.select %gt3A_1153, %get3A_1152, %select_n3A_1081 : vector<16xi1>, vector<16xf32>
      %max3A_1160 = arith.maximumf %get3A_1147, %max3A_1082 : vector<16xf32>
      %max3A_1161 = arith.maximumf %min3A_1154, %max3A_1083 : vector<16xf32>
      %get3A_1162 = arith.constant 14 : i32
      %get3A_1163 = arith.index_cast %get3A_1162 : i32 to index
      %get3A_1164 = arith.index_cast %add3A_30 : i32 to index
      %get3A_1165 = tpu.vector_load %arg6[%get3A_1163, %get3A_1164] {strides = array<i32>} : memref<16x1024xf32, #tpu.memory_space<vmem>>, vector<1x16xf32>,
      %get3A_1166 = vector.shape_cast %get3A_1165 : vector<1x16xf32> to vector<16xf32>
      %get3A_1167 = arith.constant 14 : i32
      %get3A_1168 = arith.index_cast %get3A_1167 : i32 to index
      %get3A_1169 = arith.index_cast %add3A_30 : i32 to index
      %get3A_1170 = tpu.vector_load %arg7[%get3A_1168, %get3A_1169] {strides = array<i32>} : memref<16x1024xf32, #tpu.memory_space<vmem>>, vector<1x16xf32>,
      %get3A_1171 = vector.shape_cast %get3A_1170 : vector<1x16xf32> to vector<16xf32>
      %gt3A_1172 = arith.cmpf ogt, %get3A_1166, %max3A_1101 : vector<16xf32>
      %min3A_1173 = arith.minimumf %get3A_1166, %max3A_1101 : vector<16xf32>
      %gt3A_1174 = arith.cmpf ogt, %min3A_1173, %max3A_1102 : vector<16xf32>
      %select_n3A_1175 = arith.select %gt3A_1172, %broadcast_in_dim3A_1123, %select_n3A_1097 : vector<16xi1>, vector<16xi32>
      %select_n3A_1176 = arith.select %gt3A_1172, %select_n3A_1097, %broadcast_in_dim3A_1123 : vector<16xi1>, vector<16xi32>
      %select_n3A_1177 = arith.select %gt3A_1174, %select_n3A_1176, %select_n3A_1099 : vector<16xi1>, vector<16xi32>
      %select_n3A_1178 = arith.select %gt3A_1172, %get3A_1171, %select_n3A_1100 : vector<16xi1>, vector<16xf32>
      %max3A_1179 = arith.maximumf %get3A_1166, %max3A_1101 : vector<16xf32>
      %max3A_1180 = arith.maximumf %min3A_1173, %max3A_1102 : vector<16xf32>
      %get3A_1181 = arith.constant 14 : i32
      %get3A_1182 = arith.index_cast %get3A_1181 : i32 to index
      %get3A_1183 = arith.index_cast %add3A_34 : i32 to index
      %get3A_1184 = tpu.vector_load %arg6[%get3A_1182, %get3A_1183] {strides = array<i32>} : memref<16x1024xf32, #tpu.memory_space<vmem>>, vector<1x16xf32>,
      %get3A_1185 = vector.shape_cast %get3A_1184 : vector<1x16xf32> to vector<16xf32>
      %get3A_1186 = arith.constant 14 : i32
      %get3A_1187 = arith.index_cast %get3A_1186 : i32 to index
      %get3A_1188 = arith.index_cast %add3A_34 : i32 to index
      %get3A_1189 = tpu.vector_load %arg7[%get3A_1187, %get3A_1188] {strides = array<i32>} : memref<16x1024xf32, #tpu.memory_space<vmem>>, vector<1x16xf32>,
      %get3A_1190 = vector.shape_cast %get3A_1189 : vector<1x16xf32> to vector<16xf32>
      %gt3A_1191 = arith.cmpf ogt, %get3A_1185, %max3A_1120 : vector<16xf32>
      %min3A_1192 = arith.minimumf %get3A_1185, %max3A_1120 : vector<16xf32>
      %gt3A_1193 = arith.cmpf ogt, %min3A_1192, %max3A_1121 : vector<16xf32>
      %select_n3A_1194 = arith.select %gt3A_1191, %broadcast_in_dim3A_1123, %select_n3A_1116 : vector<16xi1>, vector<16xi32>
      %select_n3A_1195 = arith.select %gt3A_1191, %select_n3A_1116, %broadcast_in_dim3A_1123 : vector<16xi1>, vector<16xi32>
      %select_n3A_1196 = arith.select %gt3A_1193, %select_n3A_1195, %select_n3A_1118 : vector<16xi1>, vector<16xi32>
      %select_n3A_1197 = arith.select %gt3A_1191, %get3A_1190, %select_n3A_1119 : vector<16xi1>, vector<16xf32>
      %max3A_1198 = arith.maximumf %get3A_1185, %max3A_1120 : vector<16xf32>
      %max3A_1199 = arith.maximumf %min3A_1192, %max3A_1121 : vector<16xf32>
      %broadcast_in_dim3A_1200 = arith.constant 15 : i32
      %broadcast_in_dim3A_1201 = vector.broadcast %broadcast_in_dim3A_1200 : i32 to vector<16xi32>
      %get3A_1202 = arith.constant 15 : i32
      %get3A_1203 = arith.index_cast %get3A_1202 : i32 to index
      %get3A_1204 = arith.index_cast %add3A_22 : i32 to index
      %get3A_1205 = tpu.vector_load %arg6[%get3A_1203, %get3A_1204] {strides = array<i32>} : memref<16x1024xf32, #tpu.memory_space<vmem>>, vector<1x16xf32>,
      %get3A_1206 = vector.shape_cast %get3A_1205 : vector<1x16xf32> to vector<16xf32>
      %get3A_1207 = arith.constant 15 : i32
      %get3A_1208 = arith.index_cast %get3A_1207 : i32 to index
      %get3A_1209 = arith.index_cast %add3A_22 : i32 to index
      %get3A_1210 = tpu.vector_load %arg7[%get3A_1208, %get3A_1209] {strides = array<i32>} : memref<16x1024xf32, #tpu.memory_space<vmem>>, vector<1x16xf32>,
      %get3A_1211 = vector.shape_cast %get3A_1210 : vector<1x16xf32> to vector<16xf32>
      %gt3A_1212 = arith.cmpf ogt, %get3A_1206, %max3A_1141 : vector<16xf32>
      %min3A_1213 = arith.minimumf %get3A_1206, %max3A_1141 : vector<16xf32>
      %gt3A_1214 = arith.cmpf ogt, %min3A_1213, %max3A_1142 : vector<16xf32>
      %select_n3A_1215 = arith.select %gt3A_1212, %broadcast_in_dim3A_1201, %select_n3A_1137 : vector<16xi1>, vector<16xi32>
      %select_n3A_1216 = arith.select %gt3A_1212, %select_n3A_1137, %broadcast_in_dim3A_1201 : vector<16xi1>, vector<16xi32>
      %select_n3A_1217 = arith.select %gt3A_1214, %select_n3A_1216, %select_n3A_1139 : vector<16xi1>, vector<16xi32>
      %select_n3A_1218 = arith.select %gt3A_1212, %get3A_1211, %select_n3A_1140 : vector<16xi1>, vector<16xf32>
      %max3A_1219 = arith.maximumf %get3A_1206, %max3A_1141 : vector<16xf32>
      %max3A_1220 = arith.maximumf %min3A_1213, %max3A_1142 : vector<16xf32>
      %get3A_1221 = arith.constant 15 : i32
      %get3A_1222 = arith.index_cast %get3A_1221 : i32 to index
      %get3A_1223 = arith.index_cast %add3A_26 : i32 to index
      %get3A_1224 = tpu.vector_load %arg6[%get3A_1222, %get3A_1223] {strides = array<i32>} : memref<16x1024xf32, #tpu.memory_space<vmem>>, vector<1x16xf32>,
      %get3A_1225 = vector.shape_cast %get3A_1224 : vector<1x16xf32> to vector<16xf32>
      %get3A_1226 = arith.constant 15 : i32
      %get3A_1227 = arith.index_cast %get3A_1226 : i32 to index
      %get3A_1228 = arith.index_cast %add3A_26 : i32 to index
      %get3A_1229 = tpu.vector_load %arg7[%get3A_1227, %get3A_1228] {strides = array<i32>} : memref<16x1024xf32, #tpu.memory_space<vmem>>, vector<1x16xf32>,
      %get3A_1230 = vector.shape_cast %get3A_1229 : vector<1x16xf32> to vector<16xf32>
      %gt3A_1231 = arith.cmpf ogt, %get3A_1225, %max3A_1160 : vector<16xf32>
      %min3A_1232 = arith.minimumf %get3A_1225, %max3A_1160 : vector<16xf32>
      %gt3A_1233 = arith.cmpf ogt, %min3A_1232, %max3A_1161 : vector<16xf32>
      %select_n3A_1234 = arith.select %gt3A_1231, %broadcast_in_dim3A_1201, %select_n3A_1156 : vector<16xi1>, vector<16xi32>
      %select_n3A_1235 = arith.select %gt3A_1231, %select_n3A_1156, %broadcast_in_dim3A_1201 : vector<16xi1>, vector<16xi32>
      %select_n3A_1236 = arith.select %gt3A_1233, %select_n3A_1235, %select_n3A_1158 : vector<16xi1>, vector<16xi32>
      %select_n3A_1237 = arith.select %gt3A_1231, %get3A_1230, %select_n3A_1159 : vector<16xi1>, vector<16xf32>
      %max3A_1238 = arith.maximumf %get3A_1225, %max3A_1160 : vector<16xf32>
      %max3A_1239 = arith.maximumf %min3A_1232, %max3A_1161 : vector<16xf32>
      %get3A_1240 = arith.constant 15 : i32
      %get3A_1241 = arith.index_cast %get3A_1240 : i32 to index
      %get3A_1242 = arith.index_cast %add3A_30 : i32 to index
      %get3A_1243 = tpu.vector_load %arg6[%get3A_1241, %get3A_1242] {strides = array<i32>} : memref<16x1024xf32, #tpu.memory_space<vmem>>, vector<1x16xf32>,
      %get3A_1244 = vector.shape_cast %get3A_1243 : vector<1x16xf32> to vector<16xf32>
      %get3A_1245 = arith.constant 15 : i32
      %get3A_1246 = arith.index_cast %get3A_1245 : i32 to index
      %get3A_1247 = arith.index_cast %add3A_30 : i32 to index
      %get3A_1248 = tpu.vector_load %arg7[%get3A_1246, %get3A_1247] {strides = array<i32>} : memref<16x1024xf32, #tpu.memory_space<vmem>>, vector<1x16xf32>,
      %get3A_1249 = vector.shape_cast %get3A_1248 : vector<1x16xf32> to vector<16xf32>
      %gt3A_1250 = arith.cmpf ogt, %get3A_1244, %max3A_1179 : vector<16xf32>
      %min3A_1251 = arith.minimumf %get3A_1244, %max3A_1179 : vector<16xf32>
      %gt3A_1252 = arith.cmpf ogt, %min3A_1251, %max3A_1180 : vector<16xf32>
      %select_n3A_1253 = arith.select %gt3A_1250, %broadcast_in_dim3A_1201, %select_n3A_1175 : vector<16xi1>, vector<16xi32>
      %select_n3A_1254 = arith.select %gt3A_1250, %select_n3A_1175, %broadcast_in_dim3A_1201 : vector<16xi1>, vector<16xi32>
      %select_n3A_1255 = arith.select %gt3A_1252, %select_n3A_1254, %select_n3A_1177 : vector<16xi1>, vector<16xi32>
      %select_n3A_1256 = arith.select %gt3A_1250, %get3A_1249, %select_n3A_1178 : vector<16xi1>, vector<16xf32>
      %max3A_1257 = arith.maximumf %get3A_1244, %max3A_1179 : vector<16xf32>
      %max3A_1258 = arith.maximumf %min3A_1251, %max3A_1180 : vector<16xf32>
      %get3A_1259 = arith.constant 15 : i32
      %get3A_1260 = arith.index_cast %get3A_1259 : i32 to index
      %get3A_1261 = arith.index_cast %add3A_34 : i32 to index
      %get3A_1262 = tpu.vector_load %arg6[%get3A_1260, %get3A_1261] {strides = array<i32>} : memref<16x1024xf32, #tpu.memory_space<vmem>>, vector<1x16xf32>,
      %get3A_1263 = vector.shape_cast %get3A_1262 : vector<1x16xf32> to vector<16xf32>
      %get3A_1264 = arith.constant 15 : i32
      %get3A_1265 = arith.index_cast %get3A_1264 : i32 to index
      %get3A_1266 = arith.index_cast %add3A_34 : i32 to index
      %get3A_1267 = tpu.vector_load %arg7[%get3A_1265, %get3A_1266] {strides = array<i32>} : memref<16x1024xf32, #tpu.memory_space<vmem>>, vector<1x16xf32>,
      %get3A_1268 = vector.shape_cast %get3A_1267 : vector<1x16xf32> to vector<16xf32>
      %gt3A_1269 = arith.cmpf ogt, %get3A_1263, %max3A_1198 : vector<16xf32>
      %min3A_1270 = arith.minimumf %get3A_1263, %max3A_1198 : vector<16xf32>
      %gt3A_1271 = arith.cmpf ogt, %min3A_1270, %max3A_1199 : vector<16xf32>
      %select_n3A_1272 = arith.select %gt3A_1269, %broadcast_in_dim3A_1201, %select_n3A_1194 : vector<16xi1>, vector<16xi32>
      %select_n3A_1273 = arith.select %gt3A_1269, %select_n3A_1194, %broadcast_in_dim3A_1201 : vector<16xi1>, vector<16xi32>
      %select_n3A_1274 = arith.select %gt3A_1271, %select_n3A_1273, %select_n3A_1196 : vector<16xi1>, vector<16xi32>
      %select_n3A_1275 = arith.select %gt3A_1269, %get3A_1268, %select_n3A_1197 : vector<16xi1>, vector<16xf32>
      %max3A_1276 = arith.maximumf %get3A_1263, %max3A_1198 : vector<16xf32>
      %max3A_1277 = arith.maximumf %min3A_1270, %max3A_1199 : vector<16xf32>
      %bitcast_convert_type3A = tpu.bitcast %max3A_1219 : vector<16xf32> -> vector<16xi32>
      %and3A = arith.constant -4 : i32
      %and3A_1278 = vector.broadcast %and3A : i32 to vector<16xi32>
      %and3A_1279 = arith.andi %bitcast_convert_type3A, %and3A_1278 : vector<16xi32>
      %bitcast_convert_type3A_1280 = tpu.bitcast %and3A_1279 : vector<16xi32> -> vector<16xf32>
      %and3A_1281 = arith.constant 3 : i32
      %and3A_1282 = vector.broadcast %and3A_1281 : i32 to vector<16xi32>
      %and3A_1283 = arith.andi %bitcast_convert_type3A, %and3A_1282 : vector<16xi32>
      %mul3A_1284 = arith.constant 16 : i32
      %mul3A_1285 = vector.broadcast %mul3A_1284 : i32 to vector<16xi32>
      %mul3A_1286 = arith.muli %and3A_1283, %mul3A_1285 : vector<16xi32>
      %add3A_1287 = arith.addi %select_n3A_1215, %mul3A_1286 : vector<16xi32>
      %bitcast_convert_type3A_1288 = tpu.bitcast %select_n3A_1218 : vector<16xf32> -> vector<16xi32>
      %and3A_1289 = arith.constant -4 : i32
      %and3A_1290 = vector.broadcast %and3A_1289 : i32 to vector<16xi32>
      %and3A_1291 = arith.andi %bitcast_convert_type3A_1288, %and3A_1290 : vector<16xi32>
      %bitcast_convert_type3A_1292 = tpu.bitcast %and3A_1291 : vector<16xi32> -> vector<16xf32>
      %and3A_1293 = arith.constant 3 : i32
      %and3A_1294 = vector.broadcast %and3A_1293 : i32 to vector<16xi32>
      %and3A_1295 = arith.andi %bitcast_convert_type3A_1288, %and3A_1294 : vector<16xi32>
      %mul3A_1296 = arith.constant 16 : i32
      %mul3A_1297 = vector.broadcast %mul3A_1296 : i32 to vector<16xi32>
      %mul3A_1298 = arith.muli %and3A_1295, %mul3A_1297 : vector<16xi32>
      %add3A_1299 = arith.addi %select_n3A_1215, %mul3A_1298 : vector<16xi32>
      %bitcast_convert_type3A_1300 = tpu.bitcast %max3A_1220 : vector<16xf32> -> vector<16xi32>
      %and3A_1301 = arith.constant -4 : i32
      %and3A_1302 = vector.broadcast %and3A_1301 : i32 to vector<16xi32>
      %and3A_1303 = arith.andi %bitcast_convert_type3A_1300, %and3A_1302 : vector<16xi32>
      %bitcast_convert_type3A_1304 = tpu.bitcast %and3A_1303 : vector<16xi32> -> vector<16xf32>
      %and3A_1305 = arith.constant 3 : i32
      %and3A_1306 = vector.broadcast %and3A_1305 : i32 to vector<16xi32>
      %and3A_1307 = arith.andi %bitcast_convert_type3A_1300, %and3A_1306 : vector<16xi32>
      %mul3A_1308 = arith.constant 16 : i32
      %mul3A_1309 = vector.broadcast %mul3A_1308 : i32 to vector<16xi32>
      %mul3A_1310 = arith.muli %and3A_1307, %mul3A_1309 : vector<16xi32>
      %add3A_1311 = arith.addi %select_n3A_1217, %mul3A_1310 : vector<16xi32>
      %gt3A_1312 = arith.cmpf ogt, %bitcast_convert_type3A_1292, %bitcast_convert_type3A_1304 : vector<16xf32>
      %eq3A = arith.cmpf oeq, %bitcast_convert_type3A_1292, %bitcast_convert_type3A_1304 : vector<16xf32>
      %max3A_1313 = arith.maximumf %bitcast_convert_type3A_1292, %bitcast_convert_type3A_1304 : vector<16xf32>
      %min3A_1314 = arith.minsi %add3A_1299, %add3A_1311 : vector<16xi32>
      %select_n3A_1315 = arith.select %eq3A, %min3A_1314, %add3A_1311 : vector<16xi1>, vector<16xi32>
      %select_n3A_1316 = arith.select %gt3A_1312, %add3A_1299, %select_n3A_1315 : vector<16xi1>, vector<16xi32>
      %sub3A = arith.subf %max3A_1313, %bitcast_convert_type3A_1280 : vector<16xf32>
      %exp3A = math.exp %sub3A : vector<16xf32>
      %add3A_1317 = arith.constant 1.000000e+00 : f32
      %add3A_1318 = vector.broadcast %add3A_1317 : f32 to vector<16xf32>
      %add3A_1319 = arith.addf %add3A_1318, %exp3A : vector<16xf32>
      %div3A = arith.constant 1.000000e+00 : f32
      %div3A_1320 = vector.broadcast %div3A : f32 to vector<16xf32>
      %div3A_1321 = arith.divf %div3A_1320, %add3A_1319 : vector<16xf32>
      %swap3A = arith.index_cast %add3A_22 : i32 to index
      %swap3A_1322 = tpu.vector_load %arg8[%swap3A] {strides = array<i32>} : memref<1024xf32, #tpu.memory_space<vmem>>, vector<16xf32>,
      %swap3A_1323 = vector.shape_cast %swap3A_1322 : vector<16xf32> to vector<16xf32>
      %swap3A_1324 = vector.shape_cast %div3A_1321 : vector<16xf32> to vector<16xf32>
      tpu.vector_store %arg8[%swap3A], %swap3A_1324 {strides = array<i32>} : memref<1024xf32, #tpu.memory_space<vmem>>, vector<16xf32>,
      %mul3A_1325 = arith.mulf %exp3A, %div3A_1321 : vector<16xf32>
      %swap3A_1326 = arith.index_cast %add3A_22 : i32 to index
      %swap3A_1327 = tpu.vector_load %arg9[%swap3A_1326] {strides = array<i32>} : memref<1024xf32, #tpu.memory_space<vmem>>, vector<16xf32>,
      %swap3A_1328 = vector.shape_cast %swap3A_1327 : vector<16xf32> to vector<16xf32>
      %swap3A_1329 = vector.shape_cast %mul3A_1325 : vector<16xf32> to vector<16xf32>
      tpu.vector_store %arg9[%swap3A_1326], %swap3A_1329 {strides = array<i32>} : memref<1024xf32, #tpu.memory_space<vmem>>, vector<16xf32>,
      %swap3A_1330 = arith.index_cast %add3A_22 : i32 to index
      %swap3A_1331 = tpu.vector_load %arg10[%swap3A_1330] {strides = array<i32>} : memref<1024xi32, #tpu.memory_space<vmem>>, vector<16xi32>,
      %swap3A_1332 = vector.shape_cast %swap3A_1331 : vector<16xi32> to vector<16xi32>
      %swap3A_1333 = vector.shape_cast %add3A_1287 : vector<16xi32> to vector<16xi32>
      tpu.vector_store %arg10[%swap3A_1330], %swap3A_1333 {strides = array<i32>} : memref<1024xi32, #tpu.memory_space<vmem>>, vector<16xi32>,
      %swap3A_1334 = arith.index_cast %add3A_22 : i32 to index
      %swap3A_1335 = tpu.vector_load %arg11[%swap3A_1334] {strides = array<i32>} : memref<1024xi32, #tpu.memory_space<vmem>>, vector<16xi32>,
      %swap3A_1336 = vector.shape_cast %swap3A_1335 : vector<16xi32> to vector<16xi32>
      %swap3A_1337 = vector.shape_cast %select_n3A_1316 : vector<16xi32> to vector<16xi32>
      tpu.vector_store %arg11[%swap3A_1334], %swap3A_1337 {strides = array<i32>} : memref<1024xi32, #tpu.memory_space<vmem>>, vector<16xi32>,
      %bitcast_convert_type3A_1338 = tpu.bitcast %max3A_1238 : vector<16xf32> -> vector<16xi32>
      %and3A_1339 = arith.constant -4 : i32
      %and3A_1340 = vector.broadcast %and3A_1339 : i32 to vector<16xi32>
      %and3A_1341 = arith.andi %bitcast_convert_type3A_1338, %and3A_1340 : vector<16xi32>
      %bitcast_convert_type3A_1342 = tpu.bitcast %and3A_1341 : vector<16xi32> -> vector<16xf32>
      %and3A_1343 = arith.constant 3 : i32
      %and3A_1344 = vector.broadcast %and3A_1343 : i32 to vector<16xi32>
      %and3A_1345 = arith.andi %bitcast_convert_type3A_1338, %and3A_1344 : vector<16xi32>
      %mul3A_1346 = arith.constant 16 : i32
      %mul3A_1347 = vector.broadcast %mul3A_1346 : i32 to vector<16xi32>
      %mul3A_1348 = arith.muli %and3A_1345, %mul3A_1347 : vector<16xi32>
      %add3A_1349 = arith.addi %select_n3A_1234, %mul3A_1348 : vector<16xi32>
      %bitcast_convert_type3A_1350 = tpu.bitcast %select_n3A_1237 : vector<16xf32> -> vector<16xi32>
      %and3A_1351 = arith.constant -4 : i32
      %and3A_1352 = vector.broadcast %and3A_1351 : i32 to vector<16xi32>
      %and3A_1353 = arith.andi %bitcast_convert_type3A_1350, %and3A_1352 : vector<16xi32>
      %bitcast_convert_type3A_1354 = tpu.bitcast %and3A_1353 : vector<16xi32> -> vector<16xf32>
      %and3A_1355 = arith.constant 3 : i32
      %and3A_1356 = vector.broadcast %and3A_1355 : i32 to vector<16xi32>
      %and3A_1357 = arith.andi %bitcast_convert_type3A_1350, %and3A_1356 : vector<16xi32>
      %mul3A_1358 = arith.constant 16 : i32
      %mul3A_1359 = vector.broadcast %mul3A_1358 : i32 to vector<16xi32>
      %mul3A_1360 = arith.muli %and3A_1357, %mul3A_1359 : vector<16xi32>
      %add3A_1361 = arith.addi %select_n3A_1234, %mul3A_1360 : vector<16xi32>
      %bitcast_convert_type3A_1362 = tpu.bitcast %max3A_1239 : vector<16xf32> -> vector<16xi32>
      %and3A_1363 = arith.constant -4 : i32
      %and3A_1364 = vector.broadcast %and3A_1363 : i32 to vector<16xi32>
      %and3A_1365 = arith.andi %bitcast_convert_type3A_1362, %and3A_1364 : vector<16xi32>
      %bitcast_convert_type3A_1366 = tpu.bitcast %and3A_1365 : vector<16xi32> -> vector<16xf32>
      %and3A_1367 = arith.constant 3 : i32
      %and3A_1368 = vector.broadcast %and3A_1367 : i32 to vector<16xi32>
      %and3A_1369 = arith.andi %bitcast_convert_type3A_1362, %and3A_1368 : vector<16xi32>
      %mul3A_1370 = arith.constant 16 : i32
      %mul3A_1371 = vector.broadcast %mul3A_1370 : i32 to vector<16xi32>
      %mul3A_1372 = arith.muli %and3A_1369, %mul3A_1371 : vector<16xi32>
      %add3A_1373 = arith.addi %select_n3A_1236, %mul3A_1372 : vector<16xi32>
      %gt3A_1374 = arith.cmpf ogt, %bitcast_convert_type3A_1354, %bitcast_convert_type3A_1366 : vector<16xf32>
      %eq3A_1375 = arith.cmpf oeq, %bitcast_convert_type3A_1354, %bitcast_convert_type3A_1366 : vector<16xf32>
      %max3A_1376 = arith.maximumf %bitcast_convert_type3A_1354, %bitcast_convert_type3A_1366 : vector<16xf32>
      %min3A_1377 = arith.minsi %add3A_1361, %add3A_1373 : vector<16xi32>
      %select_n3A_1378 = arith.select %eq3A_1375, %min3A_1377, %add3A_1373 : vector<16xi1>, vector<16xi32>
      %select_n3A_1379 = arith.select %gt3A_1374, %add3A_1361, %select_n3A_1378 : vector<16xi1>, vector<16xi32>
      %sub3A_1380 = arith.subf %max3A_1376, %bitcast_convert_type3A_1342 : vector<16xf32>
      %exp3A_1381 = math.exp %sub3A_1380 : vector<16xf32>
      %add3A_1382 = arith.constant 1.000000e+00 : f32
      %add3A_1383 = vector.broadcast %add3A_1382 : f32 to vector<16xf32>
      %add3A_1384 = arith.addf %add3A_1383, %exp3A_1381 : vector<16xf32>
      %div3A_1385 = arith.constant 1.000000e+00 : f32
      %div3A_1386 = vector.broadcast %div3A_1385 : f32 to vector<16xf32>
      %div3A_1387 = arith.divf %div3A_1386, %add3A_1384 : vector<16xf32>
      %swap3A_1388 = arith.index_cast %add3A_26 : i32 to index
      %swap3A_1389 = tpu.vector_load %arg8[%swap3A_1388] {strides = array<i32>} : memref<1024xf32, #tpu.memory_space<vmem>>, vector<16xf32>,
      %swap3A_1390 = vector.shape_cast %swap3A_1389 : vector<16xf32> to vector<16xf32>
      %swap3A_1391 = vector.shape_cast %div3A_1387 : vector<16xf32> to vector<16xf32>
      tpu.vector_store %arg8[%swap3A_1388], %swap3A_1391 {strides = array<i32>} : memref<1024xf32, #tpu.memory_space<vmem>>, vector<16xf32>,
      %mul3A_1392 = arith.mulf %exp3A_1381, %div3A_1387 : vector<16xf32>
      %swap3A_1393 = arith.index_cast %add3A_26 : i32 to index
      %swap3A_1394 = tpu.vector_load %arg9[%swap3A_1393] {strides = array<i32>} : memref<1024xf32, #tpu.memory_space<vmem>>, vector<16xf32>,
      %swap3A_1395 = vector.shape_cast %swap3A_1394 : vector<16xf32> to vector<16xf32>
      %swap3A_1396 = vector.shape_cast %mul3A_1392 : vector<16xf32> to vector<16xf32>
      tpu.vector_store %arg9[%swap3A_1393], %swap3A_1396 {strides = array<i32>} : memref<1024xf32, #tpu.memory_space<vmem>>, vector<16xf32>,
      %swap3A_1397 = arith.index_cast %add3A_26 : i32 to index
      %swap3A_1398 = tpu.vector_load %arg10[%swap3A_1397] {strides = array<i32>} : memref<1024xi32, #tpu.memory_space<vmem>>, vector<16xi32>,
      %swap3A_1399 = vector.shape_cast %swap3A_1398 : vector<16xi32> to vector<16xi32>
      %swap3A_1400 = vector.shape_cast %add3A_1349 : vector<16xi32> to vector<16xi32>
      tpu.vector_store %arg10[%swap3A_1397], %swap3A_1400 {strides = array<i32>} : memref<1024xi32, #tpu.memory_space<vmem>>, vector<16xi32>,
      %swap3A_1401 = arith.index_cast %add3A_26 : i32 to index
      %swap3A_1402 = tpu.vector_load %arg11[%swap3A_1401] {strides = array<i32>} : memref<1024xi32, #tpu.memory_space<vmem>>, vector<16xi32>,
      %swap3A_1403 = vector.shape_cast %swap3A_1402 : vector<16xi32> to vector<16xi32>
      %swap3A_1404 = vector.shape_cast %select_n3A_1379 : vector<16xi32> to vector<16xi32>
      tpu.vector_store %arg11[%swap3A_1401], %swap3A_1404 {strides = array<i32>} : memref<1024xi32, #tpu.memory_space<vmem>>, vector<16xi32>,
      %bitcast_convert_type3A_1405 = tpu.bitcast %max3A_1257 : vector<16xf32> -> vector<16xi32>
      %and3A_1406 = arith.constant -4 : i32
      %and3A_1407 = vector.broadcast %and3A_1406 : i32 to vector<16xi32>
      %and3A_1408 = arith.andi %bitcast_convert_type3A_1405, %and3A_1407 : vector<16xi32>
      %bitcast_convert_type3A_1409 = tpu.bitcast %and3A_1408 : vector<16xi32> -> vector<16xf32>
      %and3A_1410 = arith.constant 3 : i32
      %and3A_1411 = vector.broadcast %and3A_1410 : i32 to vector<16xi32>
      %and3A_1412 = arith.andi %bitcast_convert_type3A_1405, %and3A_1411 : vector<16xi32>
      %mul3A_1413 = arith.constant 16 : i32
      %mul3A_1414 = vector.broadcast %mul3A_1413 : i32 to vector<16xi32>
      %mul3A_1415 = arith.muli %and3A_1412, %mul3A_1414 : vector<16xi32>
      %add3A_1416 = arith.addi %select_n3A_1253, %mul3A_1415 : vector<16xi32>
      %bitcast_convert_type3A_1417 = tpu.bitcast %select_n3A_1256 : vector<16xf32> -> vector<16xi32>
      %and3A_1418 = arith.constant -4 : i32
      %and3A_1419 = vector.broadcast %and3A_1418 : i32 to vector<16xi32>
      %and3A_1420 = arith.andi %bitcast_convert_type3A_1417, %and3A_1419 : vector<16xi32>
      %bitcast_convert_type3A_1421 = tpu.bitcast %and3A_1420 : vector<16xi32> -> vector<16xf32>
      %and3A_1422 = arith.constant 3 : i32
      %and3A_1423 = vector.broadcast %and3A_1422 : i32 to vector<16xi32>
      %and3A_1424 = arith.andi %bitcast_convert_type3A_1417, %and3A_1423 : vector<16xi32>
      %mul3A_1425 = arith.constant 16 : i32
      %mul3A_1426 = vector.broadcast %mul3A_1425 : i32 to vector<16xi32>
      %mul3A_1427 = arith.muli %and3A_1424, %mul3A_1426 : vector<16xi32>
      %add3A_1428 = arith.addi %select_n3A_1253, %mul3A_1427 : vector<16xi32>
      %bitcast_convert_type3A_1429 = tpu.bitcast %max3A_1258 : vector<16xf32> -> vector<16xi32>
      %and3A_1430 = arith.constant -4 : i32
      %and3A_1431 = vector.broadcast %and3A_1430 : i32 to vector<16xi32>
      %and3A_1432 = arith.andi %bitcast_convert_type3A_1429, %and3A_1431 : vector<16xi32>
      %bitcast_convert_type3A_1433 = tpu.bitcast %and3A_1432 : vector<16xi32> -> vector<16xf32>
      %and3A_1434 = arith.constant 3 : i32
      %and3A_1435 = vector.broadcast %and3A_1434 : i32 to vector<16xi32>
      %and3A_1436 = arith.andi %bitcast_convert_type3A_1429, %and3A_1435 : vector<16xi32>
      %mul3A_1437 = arith.constant 16 : i32
      %mul3A_1438 = vector.broadcast %mul3A_1437 : i32 to vector<16xi32>
      %mul3A_1439 = arith.muli %and3A_1436, %mul3A_1438 : vector<16xi32>
      %add3A_1440 = arith.addi %select_n3A_1255, %mul3A_1439 : vector<16xi32>
      %gt3A_1441 = arith.cmpf ogt, %bitcast_convert_type3A_1421, %bitcast_convert_type3A_1433 : vector<16xf32>
      %eq3A_1442 = arith.cmpf oeq, %bitcast_convert_type3A_1421, %bitcast_convert_type3A_1433 : vector<16xf32>
      %max3A_1443 = arith.maximumf %bitcast_convert_type3A_1421, %bitcast_convert_type3A_1433 : vector<16xf32>
      %min3A_1444 = arith.minsi %add3A_1428, %add3A_1440 : vector<16xi32>
      %select_n3A_1445 = arith.select %eq3A_1442, %min3A_1444, %add3A_1440 : vector<16xi1>, vector<16xi32>
      %select_n3A_1446 = arith.select %gt3A_1441, %add3A_1428, %select_n3A_1445 : vector<16xi1>, vector<16xi32>
      %sub3A_1447 = arith.subf %max3A_1443, %bitcast_convert_type3A_1409 : vector<16xf32>
      %exp3A_1448 = math.exp %sub3A_1447 : vector<16xf32>
      %add3A_1449 = arith.constant 1.000000e+00 : f32
      %add3A_1450 = vector.broadcast %add3A_1449 : f32 to vector<16xf32>
      %add3A_1451 = arith.addf %add3A_1450, %exp3A_1448 : vector<16xf32>
      %div3A_1452 = arith.constant 1.000000e+00 : f32
      %div3A_1453 = vector.broadcast %div3A_1452 : f32 to vector<16xf32>
      %div3A_1454 = arith.divf %div3A_1453, %add3A_1451 : vector<16xf32>
      %swap3A_1455 = arith.index_cast %add3A_30 : i32 to index
      %swap3A_1456 = tpu.vector_load %arg8[%swap3A_1455] {strides = array<i32>} : memref<1024xf32, #tpu.memory_space<vmem>>, vector<16xf32>,
      %swap3A_1457 = vector.shape_cast %swap3A_1456 : vector<16xf32> to vector<16xf32>
      %swap3A_1458 = vector.shape_cast %div3A_1454 : vector<16xf32> to vector<16xf32>
      tpu.vector_store %arg8[%swap3A_1455], %swap3A_1458 {strides = array<i32>} : memref<1024xf32, #tpu.memory_space<vmem>>, vector<16xf32>,
      %mul3A_1459 = arith.mulf %exp3A_1448, %div3A_1454 : vector<16xf32>
      %swap3A_1460 = arith.index_cast %add3A_30 : i32 to index
      %swap3A_1461 = tpu.vector_load %arg9[%swap3A_1460] {strides = array<i32>} : memref<1024xf32, #tpu.memory_space<vmem>>, vector<16xf32>,
      %swap3A_1462 = vector.shape_cast %swap3A_1461 : vector<16xf32> to vector<16xf32>
      %swap3A_1463 = vector.shape_cast %mul3A_1459 : vector<16xf32> to vector<16xf32>
      tpu.vector_store %arg9[%swap3A_1460], %swap3A_1463 {strides = array<i32>} : memref<1024xf32, #tpu.memory_space<vmem>>, vector<16xf32>,
      %swap3A_1464 = arith.index_cast %add3A_30 : i32 to index
      %swap3A_1465 = tpu.vector_load %arg10[%swap3A_1464] {strides = array<i32>} : memref<1024xi32, #tpu.memory_space<vmem>>, vector<16xi32>,
      %swap3A_1466 = vector.shape_cast %swap3A_1465 : vector<16xi32> to vector<16xi32>
      %swap3A_1467 = vector.shape_cast %add3A_1416 : vector<16xi32> to vector<16xi32>
      tpu.vector_store %arg10[%swap3A_1464], %swap3A_1467 {strides = array<i32>} : memref<1024xi32, #tpu.memory_space<vmem>>, vector<16xi32>,
      %swap3A_1468 = arith.index_cast %add3A_30 : i32 to index
      %swap3A_1469 = tpu.vector_load %arg11[%swap3A_1468] {strides = array<i32>} : memref<1024xi32, #tpu.memory_space<vmem>>, vector<16xi32>,
      %swap3A_1470 = vector.shape_cast %swap3A_1469 : vector<16xi32> to vector<16xi32>
      %swap3A_1471 = vector.shape_cast %select_n3A_1446 : vector<16xi32> to vector<16xi32>
      tpu.vector_store %arg11[%swap3A_1468], %swap3A_1471 {strides = array<i32>} : memref<1024xi32, #tpu.memory_space<vmem>>, vector<16xi32>,
      %bitcast_convert_type3A_1472 = tpu.bitcast %max3A_1276 : vector<16xf32> -> vector<16xi32>
      %and3A_1473 = arith.constant -4 : i32
      %and3A_1474 = vector.broadcast %and3A_1473 : i32 to vector<16xi32>
      %and3A_1475 = arith.andi %bitcast_convert_type3A_1472, %and3A_1474 : vector<16xi32>
      %bitcast_convert_type3A_1476 = tpu.bitcast %and3A_1475 : vector<16xi32> -> vector<16xf32>
      %and3A_1477 = arith.constant 3 : i32
      %and3A_1478 = vector.broadcast %and3A_1477 : i32 to vector<16xi32>
      %and3A_1479 = arith.andi %bitcast_convert_type3A_1472, %and3A_1478 : vector<16xi32>
      %mul3A_1480 = arith.constant 16 : i32
      %mul3A_1481 = vector.broadcast %mul3A_1480 : i32 to vector<16xi32>
      %mul3A_1482 = arith.muli %and3A_1479, %mul3A_1481 : vector<16xi32>
      %add3A_1483 = arith.addi %select_n3A_1272, %mul3A_1482 : vector<16xi32>
      %bitcast_convert_type3A_1484 = tpu.bitcast %select_n3A_1275 : vector<16xf32> -> vector<16xi32>
      %and3A_1485 = arith.constant -4 : i32
      %and3A_1486 = vector.broadcast %and3A_1485 : i32 to vector<16xi32>
      %and3A_1487 = arith.andi %bitcast_convert_type3A_1484, %and3A_1486 : vector<16xi32>
      %bitcast_convert_type3A_1488 = tpu.bitcast %and3A_1487 : vector<16xi32> -> vector<16xf32>
      %and3A_1489 = arith.constant 3 : i32
      %and3A_1490 = vector.broadcast %and3A_1489 : i32 to vector<16xi32>
      %and3A_1491 = arith.andi %bitcast_convert_type3A_1484, %and3A_1490 : vector<16xi32>
      %mul3A_1492 = arith.constant 16 : i32
      %mul3A_1493 = vector.broadcast %mul3A_1492 : i32 to vector<16xi32>
      %mul3A_1494 = arith.muli %and3A_1491, %mul3A_1493 : vector<16xi32>
      %add3A_1495 = arith.addi %select_n3A_1272, %mul3A_1494 : vector<16xi32>
      %bitcast_convert_type3A_1496 = tpu.bitcast %max3A_1277 : vector<16xf32> -> vector<16xi32>
      %and3A_1497 = arith.constant -4 : i32
      %and3A_1498 = vector.broadcast %and3A_1497 : i32 to vector<16xi32>
      %and3A_1499 = arith.andi %bitcast_convert_type3A_1496, %and3A_1498 : vector<16xi32>
      %bitcast_convert_type3A_1500 = tpu.bitcast %and3A_1499 : vector<16xi32> -> vector<16xf32>
      %and3A_1501 = arith.constant 3 : i32
      %and3A_1502 = vector.broadcast %and3A_1501 : i32 to vector<16xi32>
      %and3A_1503 = arith.andi %bitcast_convert_type3A_1496, %and3A_1502 : vector<16xi32>
      %mul3A_1504 = arith.constant 16 : i32
      %mul3A_1505 = vector.broadcast %mul3A_1504 : i32 to vector<16xi32>
      %mul3A_1506 = arith.muli %and3A_1503, %mul3A_1505 : vector<16xi32>
      %add3A_1507 = arith.addi %select_n3A_1274, %mul3A_1506 : vector<16xi32>
      %gt3A_1508 = arith.cmpf ogt, %bitcast_convert_type3A_1488, %bitcast_convert_type3A_1500 : vector<16xf32>
      %eq3A_1509 = arith.cmpf oeq, %bitcast_convert_type3A_1488, %bitcast_convert_type3A_1500 : vector<16xf32>
      %max3A_1510 = arith.maximumf %bitcast_convert_type3A_1488, %bitcast_convert_type3A_1500 : vector<16xf32>
      %min3A_1511 = arith.minsi %add3A_1495, %add3A_1507 : vector<16xi32>
      %select_n3A_1512 = arith.select %eq3A_1509, %min3A_1511, %add3A_1507 : vector<16xi1>, vector<16xi32>
      %select_n3A_1513 = arith.select %gt3A_1508, %add3A_1495, %select_n3A_1512 : vector<16xi1>, vector<16xi32>
      %sub3A_1514 = arith.subf %max3A_1510, %bitcast_convert_type3A_1476 : vector<16xf32>
      %exp3A_1515 = math.exp %sub3A_1514 : vector<16xf32>
      %add3A_1516 = arith.constant 1.000000e+00 : f32
      %add3A_1517 = vector.broadcast %add3A_1516 : f32 to vector<16xf32>
      %add3A_1518 = arith.addf %add3A_1517, %exp3A_1515 : vector<16xf32>
      %div3A_1519 = arith.constant 1.000000e+00 : f32
      %div3A_1520 = vector.broadcast %div3A_1519 : f32 to vector<16xf32>
      %div3A_1521 = arith.divf %div3A_1520, %add3A_1518 : vector<16xf32>
      %swap3A_1522 = arith.index_cast %add3A_34 : i32 to index
      %swap3A_1523 = tpu.vector_load %arg8[%swap3A_1522] {strides = array<i32>} : memref<1024xf32, #tpu.memory_space<vmem>>, vector<16xf32>,
      %swap3A_1524 = vector.shape_cast %swap3A_1523 : vector<16xf32> to vector<16xf32>
      %swap3A_1525 = vector.shape_cast %div3A_1521 : vector<16xf32> to vector<16xf32>
      tpu.vector_store %arg8[%swap3A_1522], %swap3A_1525 {strides = array<i32>} : memref<1024xf32, #tpu.memory_space<vmem>>, vector<16xf32>,
      %mul3A_1526 = arith.mulf %exp3A_1515, %div3A_1521 : vector<16xf32>
      %swap3A_1527 = arith.index_cast %add3A_34 : i32 to index
      %swap3A_1528 = tpu.vector_load %arg9[%swap3A_1527] {strides = array<i32>} : memref<1024xf32, #tpu.memory_space<vmem>>, vector<16xf32>,
      %swap3A_1529 = vector.shape_cast %swap3A_1528 : vector<16xf32> to vector<16xf32>
      %swap3A_1530 = vector.shape_cast %mul3A_1526 : vector<16xf32> to vector<16xf32>
      tpu.vector_store %arg9[%swap3A_1527], %swap3A_1530 {strides = array<i32>} : memref<1024xf32, #tpu.memory_space<vmem>>, vector<16xf32>,
      %swap3A_1531 = arith.index_cast %add3A_34 : i32 to index
      %swap3A_1532 = tpu.vector_load %arg10[%swap3A_1531] {strides = array<i32>} : memref<1024xi32, #tpu.memory_space<vmem>>, vector<16xi32>,
      %swap3A_1533 = vector.shape_cast %swap3A_1532 : vector<16xi32> to vector<16xi32>
      %swap3A_1534 = vector.shape_cast %add3A_1483 : vector<16xi32> to vector<16xi32>
      tpu.vector_store %arg10[%swap3A_1531], %swap3A_1534 {strides = array<i32>} : memref<1024xi32, #tpu.memory_space<vmem>>, vector<16xi32>,
      %swap3A_1535 = arith.index_cast %add3A_34 : i32 to index
      %swap3A_1536 = tpu.vector_load %arg11[%swap3A_1535] {strides = array<i32>} : memref<1024xi32, #tpu.memory_space<vmem>>, vector<16xi32>,
      %swap3A_1537 = vector.shape_cast %swap3A_1536 : vector<16xi32> to vector<16xi32>
      %swap3A_1538 = vector.shape_cast %select_n3A_1513 : vector<16xi32> to vector<16xi32>
      tpu.vector_store %arg11[%swap3A_1535], %swap3A_1538 {strides = array<i32>} : memref<1024xi32, #tpu.memory_space<vmem>>, vector<16xi32>,
      %scan3A_1539 = arith.constant 0 : i32
      scf.yield %scan3A_1539 : i32
    }
    %scan3A_13 = arith.constant 16 : i32
    %run_scoped3A = arith.constant 0 : i32
    "tpu.region"() ({
      %run_scoped3A_17 = tpu.sem_alloc : memref<!tpu.dma_semaphore, #tpu.memory_space<semaphore_mem>>
      %dma_start3A = tpu.memref_slice %arg4[%run_scoped3A, %mul3A_2] : memref<2x32768xf32, #tpu.memory_space<hbm>> -> memref<1x1024xf32, #tpu.memory_space<hbm>>
      %dma_start3A_18 = tpu.memref_squeeze %dma_start3A : memref<1x1024xf32, #tpu.memory_space<hbm>> -> memref<1024xf32, #tpu.memory_space<hbm>>
      %dma_start3A_19 = tpu.memref_slice %arg4[%run_scoped3A, %mul3A_2] : memref<2x32768xf32, #tpu.memory_space<hbm>> -> memref<1x1024xf32, #tpu.memory_space<hbm>>
      %dma_start3A_20 = tpu.memref_squeeze %dma_start3A_19 : memref<1x1024xf32, #tpu.memory_space<hbm>> -> memref<1024xf32, #tpu.memory_space<hbm>>
      tpu.enqueue_dma source(%arg8 : memref<1024xf32, #tpu.memory_space<vmem>>) target(%dma_start3A_20 : memref<1024xf32, #tpu.memory_space<hbm>>) target_semaphore(%run_scoped3A_17 : memref<!tpu.dma_semaphore, #tpu.memory_space<semaphore_mem>>)
      %dma_wait3A = tpu.memref_slice %arg4[%run_scoped3A, %mul3A_2] : memref<2x32768xf32, #tpu.memory_space<hbm>> -> memref<1x1024xf32, #tpu.memory_space<hbm>>
      %dma_wait3A_21 = tpu.memref_squeeze %dma_wait3A : memref<1x1024xf32, #tpu.memory_space<hbm>> -> memref<1024xf32, #tpu.memory_space<hbm>>
      %dma_wait3A_22 = tpu.memref_slice %arg4[%run_scoped3A, %mul3A_2] : memref<2x32768xf32, #tpu.memory_space<hbm>> -> memref<1x1024xf32, #tpu.memory_space<hbm>>
      %dma_wait3A_23 = tpu.memref_squeeze %dma_wait3A_22 : memref<1x1024xf32, #tpu.memory_space<hbm>> -> memref<1024xf32, #tpu.memory_space<hbm>>
      tpu.wait_dma2 semaphore(%run_scoped3A_17 : memref<!tpu.dma_semaphore, #tpu.memory_space<semaphore_mem>>) src(%arg8 : memref<1024xf32, #tpu.memory_space<vmem>>) dst(%dma_wait3A_23 : memref<1024xf32, #tpu.memory_space<hbm>>)
      tpu.yield
    }) : () -> ()
    %run_scoped3A_14 = arith.constant 1 : i32
    "tpu.region"() ({
      %run_scoped3A_17 = tpu.sem_alloc : memref<!tpu.dma_semaphore, #tpu.memory_space<semaphore_mem>>
      %dma_start3A = tpu.memref_slice %arg4[%run_scoped3A_14, %mul3A_2] : memref<2x32768xf32, #tpu.memory_space<hbm>> -> memref<1x1024xf32, #tpu.memory_space<hbm>>
      %dma_start3A_18 = tpu.memref_squeeze %dma_start3A : memref<1x1024xf32, #tpu.memory_space<hbm>> -> memref<1024xf32, #tpu.memory_space<hbm>>
      %dma_start3A_19 = tpu.memref_slice %arg4[%run_scoped3A_14, %mul3A_2] : memref<2x32768xf32, #tpu.memory_space<hbm>> -> memref<1x1024xf32, #tpu.memory_space<hbm>>
      %dma_start3A_20 = tpu.memref_squeeze %dma_start3A_19 : memref<1x1024xf32, #tpu.memory_space<hbm>> -> memref<1024xf32, #tpu.memory_space<hbm>>
      tpu.enqueue_dma source(%arg9 : memref<1024xf32, #tpu.memory_space<vmem>>) target(%dma_start3A_20 : memref<1024xf32, #tpu.memory_space<hbm>>) target_semaphore(%run_scoped3A_17 : memref<!tpu.dma_semaphore, #tpu.memory_space<semaphore_mem>>)
      %dma_wait3A = tpu.memref_slice %arg4[%run_scoped3A_14, %mul3A_2] : memref<2x32768xf32, #tpu.memory_space<hbm>> -> memref<1x1024xf32, #tpu.memory_space<hbm>>
      %dma_wait3A_21 = tpu.memref_squeeze %dma_wait3A : memref<1x1024xf32, #tpu.memory_space<hbm>> -> memref<1024xf32, #tpu.memory_space<hbm>>
      %dma_wait3A_22 = tpu.memref_slice %arg4[%run_scoped3A_14, %mul3A_2] : memref<2x32768xf32, #tpu.memory_space<hbm>> -> memref<1x1024xf32, #tpu.memory_space<hbm>>
      %dma_wait3A_23 = tpu.memref_squeeze %dma_wait3A_22 : memref<1x1024xf32, #tpu.memory_space<hbm>> -> memref<1024xf32, #tpu.memory_space<hbm>>
      tpu.wait_dma2 semaphore(%run_scoped3A_17 : memref<!tpu.dma_semaphore, #tpu.memory_space<semaphore_mem>>) src(%arg9 : memref<1024xf32, #tpu.memory_space<vmem>>) dst(%dma_wait3A_23 : memref<1024xf32, #tpu.memory_space<hbm>>)
      tpu.yield
    }) : () -> ()
    %run_scoped3A_15 = arith.constant 0 : i32
    "tpu.region"() ({
      %run_scoped3A_17 = tpu.sem_alloc : memref<!tpu.dma_semaphore, #tpu.memory_space<semaphore_mem>>
      %dma_start3A = tpu.memref_slice %arg5[%run_scoped3A_15, %mul3A_2] : memref<2x32768xi32, #tpu.memory_space<hbm>> -> memref<1x1024xi32, #tpu.memory_space<hbm>>
      %dma_start3A_18 = tpu.memref_squeeze %dma_start3A : memref<1x1024xi32, #tpu.memory_space<hbm>> -> memref<1024xi32, #tpu.memory_space<hbm>>
      %dma_start3A_19 = tpu.memref_slice %arg5[%run_scoped3A_15, %mul3A_2] : memref<2x32768xi32, #tpu.memory_space<hbm>> -> memref<1x1024xi32, #tpu.memory_space<hbm>>
      %dma_start3A_20 = tpu.memref_squeeze %dma_start3A_19 : memref<1x1024xi32, #tpu.memory_space<hbm>> -> memref<1024xi32, #tpu.memory_space<hbm>>
      tpu.enqueue_dma source(%arg10 : memref<1024xi32, #tpu.memory_space<vmem>>) target(%dma_start3A_20 : memref<1024xi32, #tpu.memory_space<hbm>>) target_semaphore(%run_scoped3A_17 : memref<!tpu.dma_semaphore, #tpu.memory_space<semaphore_mem>>)
      %dma_wait3A = tpu.memref_slice %arg5[%run_scoped3A_15, %mul3A_2] : memref<2x32768xi32, #tpu.memory_space<hbm>> -> memref<1x1024xi32, #tpu.memory_space<hbm>>
      %dma_wait3A_21 = tpu.memref_squeeze %dma_wait3A : memref<1x1024xi32, #tpu.memory_space<hbm>> -> memref<1024xi32, #tpu.memory_space<hbm>>
      %dma_wait3A_22 = tpu.memref_slice %arg5[%run_scoped3A_15, %mul3A_2] : memref<2x32768xi32, #tpu.memory_space<hbm>> -> memref<1x1024xi32, #tpu.memory_space<hbm>>
      %dma_wait3A_23 = tpu.memref_squeeze %dma_wait3A_22 : memref<1x1024xi32, #tpu.memory_space<hbm>> -> memref<1024xi32, #tpu.memory_space<hbm>>
      tpu.wait_dma2 semaphore(%run_scoped3A_17 : memref<!tpu.dma_semaphore, #tpu.memory_space<semaphore_mem>>) src(%arg10 : memref<1024xi32, #tpu.memory_space<vmem>>) dst(%dma_wait3A_23 : memref<1024xi32, #tpu.memory_space<hbm>>)
      tpu.yield
    }) : () -> ()
    %run_scoped3A_16 = arith.constant 1 : i32
    "tpu.region"() ({
      %run_scoped3A_17 = tpu.sem_alloc : memref<!tpu.dma_semaphore, #tpu.memory_space<semaphore_mem>>
      %dma_start3A = tpu.memref_slice %arg5[%run_scoped3A_16, %mul3A_2] : memref<2x32768xi32, #tpu.memory_space<hbm>> -> memref<1x1024xi32, #tpu.memory_space<hbm>>
      %dma_start3A_18 = tpu.memref_squeeze %dma_start3A : memref<1x1024xi32, #tpu.memory_space<hbm>> -> memref<1024xi32, #tpu.memory_space<hbm>>
      %dma_start3A_19 = tpu.memref_slice %arg5[%run_scoped3A_16, %mul3A_2] : memref<2x32768xi32, #tpu.memory_space<hbm>> -> memref<1x1024xi32, #tpu.memory_space<hbm>>
      %dma_start3A_20 = tpu.memref_squeeze %dma_start3A_19 : memref<1x1024xi32, #tpu.memory_space<hbm>> -> memref<1024xi32, #tpu.memory_space<hbm>>
      tpu.enqueue_dma source(%arg11 : memref<1024xi32, #tpu.memory_space<vmem>>) target(%dma_start3A_20 : memref<1024xi32, #tpu.memory_space<hbm>>) target_semaphore(%run_scoped3A_17 : memref<!tpu.dma_semaphore, #tpu.memory_space<semaphore_mem>>)
      %dma_wait3A = tpu.memref_slice %arg5[%run_scoped3A_16, %mul3A_2] : memref<2x32768xi32, #tpu.memory_space<hbm>> -> memref<1x1024xi32, #tpu.memory_space<hbm>>
      %dma_wait3A_21 = tpu.memref_squeeze %dma_wait3A : memref<1x1024xi32, #tpu.memory_space<hbm>> -> memref<1024xi32, #tpu.memory_space<hbm>>
      %dma_wait3A_22 = tpu.memref_slice %arg5[%run_scoped3A_16, %mul3A_2] : memref<2x32768xi32, #tpu.memory_space<hbm>> -> memref<1x1024xi32, #tpu.memory_space<hbm>>
      %dma_wait3A_23 = tpu.memref_squeeze %dma_wait3A_22 : memref<1x1024xi32, #tpu.memory_space<hbm>> -> memref<1024xi32, #tpu.memory_space<hbm>>
      tpu.wait_dma2 semaphore(%run_scoped3A_17 : memref<!tpu.dma_semaphore, #tpu.memory_space<semaphore_mem>>) src(%arg11 : memref<1024xi32, #tpu.memory_space<vmem>>) dst(%dma_wait3A_23 : memref<1024xi32, #tpu.memory_space<hbm>>)
      tpu.yield
    }) : () -> ()
    return
  }
}

module attributes {stable_mosaic.version = 14 : i64} {
  func.func @_logits_body(%arg0: i32, %arg1: memref<4096x768xf32, #tpu.memory_space<vmem>>, %arg2: memref<768x64xf32, #tpu.memory_space<vmem>>, %arg3: memref<64xf32, #tpu.memory_space<vmem>>, %arg4: memref<4096x64xf32, #tpu.memory_space<vmem>>, %arg5: memref<4x16x1024xf32, #tpu.memory_space<vmem>>, %arg6: memref<4x16x1024xf32, #tpu.memory_space<vmem>>) attributes {dimension_semantics = [#tpu.dimension_semantics<arbitrary>], iteration_bounds = array<i64: 8>, scalar_prefetch = 0 : i64, scratch_operands = 0 : i64, tpu.core_type = #tpu.core_type<tc>, window_params = [{transform_indices = @transform_0, window_bounds = array<i64: 4096, 768>}, {pipeline_mode = #tpu.pipeline_mode<synchronous>, transform_indices = @transform_1, window_bounds = array<i64: 768, 64>}, {pipeline_mode = #tpu.pipeline_mode<synchronous>, transform_indices = @transform_2, window_bounds = array<i64: 64>}, {transform_indices = @transform_3, window_bounds = array<i64: 4096, 64>}, {transform_indices = @transform_4, window_bounds = array<i64: 4, 16, 1024>}, {transform_indices = @transform_5, window_bounds = array<i64: 4, 16, 1024>}]} {
    %get3A = arith.constant 0 : index
    %get3A_0 = arith.constant 0 : index
    %get3A_1 = vector.load %arg1[%get3A, %get3A_0] : memref<4096x768xf32, #tpu.memory_space<vmem>>, vector<4096x768xf32>
    %get3A_2 = arith.constant 0 : index
    %get3A_3 = arith.constant 0 : index
    %get3A_4 = vector.load %arg2[%get3A_2, %get3A_3] : memref<768x64xf32, #tpu.memory_space<vmem>>, vector<768x64xf32>
    %dot_general3A = arith.constant dense<0.000000e+00> : vector<4096x64xf32>
    %dot_general3A_5 = tpu.matmul %get3A_1, %get3A_4, %dot_general3A {dimension_numbers = #tpu.dot_dimension_numbers<[1], [0], [0], [1], [0, 0, 1, 1], [], []>, transpose_lhs_hint = false} : vector<4096x768xf32>, vector<768x64xf32>, vector<4096x64xf32> -> vector<4096x64xf32>
    %get3A_6 = arith.constant 0 : index
    %get3A_7 = vector.load %arg3[%get3A_6] : memref<64xf32, #tpu.memory_space<vmem>>, vector<64xf32>
    %broadcast_in_dim3A = vector.shape_cast %get3A_7 : vector<64xf32> to vector<1x64xf32>
    %add3A = vector.broadcast %broadcast_in_dim3A : vector<1x64xf32> to vector<4096x64xf32>
    %add3A_8 = arith.addf %dot_general3A_5, %add3A : vector<4096x64xf32>
    %div3A = arith.constant 1.000000e-01 : f32
    %div3A_9 = vector.broadcast %div3A : f32 to vector<4096x64xf32>
    %div3A_10 = arith.divf %add3A_8, %div3A_9 : vector<4096x64xf32>
    %swap3A = arith.constant 0 : index
    %swap3A_11 = arith.constant 0 : index
    %swap3A_12 = vector.load %arg4[%swap3A, %swap3A_11] : memref<4096x64xf32, #tpu.memory_space<vmem>>, vector<4096x64xf32>
    tpu.vector_store %arg4[%swap3A, %swap3A_11], %div3A_10 {strides = array<i32>} : memref<4096x64xf32, #tpu.memory_space<vmem>>, vector<4096x64xf32>,
    %transpose3A = tpu.transpose %div3A_10, [1, 0] : vector<4096x64xf32> -> vector<64x4096xf32>
    %slice3A = vector.extract_strided_slice %transpose3A {offsets = [0, 0], sizes = [16, 4096], strides = [1, 1]} : vector<64x4096xf32> to vector<16x4096xf32>
    %slice3A_13 = vector.extract_strided_slice %transpose3A {offsets = [16, 0], sizes = [16, 4096], strides = [1, 1]} : vector<64x4096xf32> to vector<16x4096xf32>
    %slice3A_14 = vector.extract_strided_slice %transpose3A {offsets = [32, 0], sizes = [16, 4096], strides = [1, 1]} : vector<64x4096xf32> to vector<16x4096xf32>
    %slice3A_15 = vector.extract_strided_slice %transpose3A {offsets = [48, 0], sizes = [16, 4096], strides = [1, 1]} : vector<64x4096xf32> to vector<16x4096xf32>
    %max3A = arith.maximumf %slice3A, %slice3A_14 : vector<16x4096xf32>
    %min3A = arith.minimumf %slice3A, %slice3A_14 : vector<16x4096xf32>
    %ge3A = arith.cmpf oge, %slice3A, %slice3A_14 : vector<16x4096xf32>
    %jit3A = arith.constant 0 : i32
    %jit3A_16 = arith.constant 2 : i32
    %broadcast_in_dim3A_17 = vector.broadcast %jit3A : i32 to vector<16x4096xi32>
    %broadcast_in_dim3A_18 = vector.broadcast %jit3A_16 : i32 to vector<16x4096xi32>
    %select_n3A = arith.select %ge3A, %broadcast_in_dim3A_17, %broadcast_in_dim3A_18 : vector<16x4096xi1>, vector<16x4096xi32>
    %max3A_19 = arith.maximumf %slice3A_13, %slice3A_15 : vector<16x4096xf32>
    %min3A_20 = arith.minimumf %slice3A_13, %slice3A_15 : vector<16x4096xf32>
    %ge3A_21 = arith.cmpf oge, %slice3A_13, %slice3A_15 : vector<16x4096xf32>
    %jit3A_22 = arith.constant 1 : i32
    %jit3A_23 = arith.constant 3 : i32
    %broadcast_in_dim3A_24 = vector.broadcast %jit3A_22 : i32 to vector<16x4096xi32>
    %broadcast_in_dim3A_25 = vector.broadcast %jit3A_23 : i32 to vector<16x4096xi32>
    %select_n3A_26 = arith.select %ge3A_21, %broadcast_in_dim3A_24, %broadcast_in_dim3A_25 : vector<16x4096xi1>, vector<16x4096xi32>
    %gt3A = arith.cmpf ogt, %max3A, %max3A_19 : vector<16x4096xf32>
    %eq3A = arith.cmpf oeq, %max3A, %max3A_19 : vector<16x4096xf32>
    %lt3A = arith.cmpi slt, %select_n3A, %select_n3A_26 : vector<16x4096xi32>
    %and3A = arith.andi %eq3A, %lt3A : vector<16x4096xi1>
    %or3A = arith.ori %gt3A, %and3A : vector<16x4096xi1>
    %select_n3A_27 = arith.select %or3A, %max3A, %max3A_19 : vector<16x4096xi1>, vector<16x4096xf32>
    %select_n3A_28 = arith.select %or3A, %select_n3A, %select_n3A_26 : vector<16x4096xi1>, vector<16x4096xi32>
    %select_n3A_29 = arith.select %or3A, %max3A_19, %max3A : vector<16x4096xi1>, vector<16x4096xf32>
    %select_n3A_30 = arith.select %or3A, %select_n3A_26, %select_n3A : vector<16x4096xi1>, vector<16x4096xi32>
    %select_n3A_31 = arith.select %or3A, %min3A, %min3A_20 : vector<16x4096xi1>, vector<16x4096xf32>
    %sub3A = arith.constant 2 : i32
    %sub3A_32 = vector.broadcast %sub3A : i32 to vector<16x4096xi32>
    %sub3A_33 = arith.subi %sub3A_32, %select_n3A : vector<16x4096xi32>
    %sub3A_34 = arith.constant 4 : i32
    %sub3A_35 = vector.broadcast %sub3A_34 : i32 to vector<16x4096xi32>
    %sub3A_36 = arith.subi %sub3A_35, %select_n3A_26 : vector<16x4096xi32>
    %select_n3A_37 = arith.select %or3A, %sub3A_33, %sub3A_36 : vector<16x4096xi1>, vector<16x4096xi32>
    %gt3A_38 = arith.cmpf ogt, %select_n3A_29, %select_n3A_31 : vector<16x4096xf32>
    %eq3A_39 = arith.cmpf oeq, %select_n3A_29, %select_n3A_31 : vector<16x4096xf32>
    %lt3A_40 = arith.cmpi slt, %select_n3A_30, %select_n3A_37 : vector<16x4096xi32>
    %and3A_41 = arith.andi %eq3A_39, %lt3A_40 : vector<16x4096xi1>
    %or3A_42 = arith.ori %gt3A_38, %and3A_41 : vector<16x4096xi1>
    %select_n3A_43 = arith.select %or3A_42, %select_n3A_29, %select_n3A_31 : vector<16x4096xi1>, vector<16x4096xf32>
    %select_n3A_44 = arith.select %or3A_42, %select_n3A_30, %select_n3A_37 : vector<16x4096xi1>, vector<16x4096xi32>
    %bitcast_convert_type3A = tpu.bitcast %select_n3A_27 : vector<16x4096xf32> -> vector<16x4096xi32>
    %and3A_45 = arith.constant -4 : i32
    %and3A_46 = vector.broadcast %and3A_45 : i32 to vector<16x4096xi32>
    %and3A_47 = arith.andi %bitcast_convert_type3A, %and3A_46 : vector<16x4096xi32>
    %or3A_48 = arith.ori %and3A_47, %select_n3A_28 : vector<16x4096xi32>
    %bitcast_convert_type3A_49 = tpu.bitcast %or3A_48 : vector<16x4096xi32> -> vector<16x4096xf32>
    %reshape3A = vector.shape_cast %bitcast_convert_type3A_49 : vector<16x4096xf32> to vector<16x4x1024xf32>
    %transpose3A_50 = tpu.transpose %reshape3A, [1, 0, 2] : vector<16x4x1024xf32> -> vector<4x16x1024xf32>
    %swap3A_51 = arith.constant 0 : index
    %swap3A_52 = arith.constant 0 : index
    %swap3A_53 = arith.constant 0 : index
    %swap3A_54 = vector.load %arg5[%swap3A_51, %swap3A_52, %swap3A_53] : memref<4x16x1024xf32, #tpu.memory_space<vmem>>, vector<4x16x1024xf32>
    tpu.vector_store %arg5[%swap3A_51, %swap3A_52, %swap3A_53], %transpose3A_50 {strides = array<i32>} : memref<4x16x1024xf32, #tpu.memory_space<vmem>>, vector<4x16x1024xf32>,
    %bitcast_convert_type3A_55 = tpu.bitcast %select_n3A_43 : vector<16x4096xf32> -> vector<16x4096xi32>
    %and3A_56 = arith.constant -4 : i32
    %and3A_57 = vector.broadcast %and3A_56 : i32 to vector<16x4096xi32>
    %and3A_58 = arith.andi %bitcast_convert_type3A_55, %and3A_57 : vector<16x4096xi32>
    %or3A_59 = arith.ori %and3A_58, %select_n3A_44 : vector<16x4096xi32>
    %bitcast_convert_type3A_60 = tpu.bitcast %or3A_59 : vector<16x4096xi32> -> vector<16x4096xf32>
    %reshape3A_61 = vector.shape_cast %bitcast_convert_type3A_60 : vector<16x4096xf32> to vector<16x4x1024xf32>
    %transpose3A_62 = tpu.transpose %reshape3A_61, [1, 0, 2] : vector<16x4x1024xf32> -> vector<4x16x1024xf32>
    %swap3A_63 = arith.constant 0 : index
    %swap3A_64 = arith.constant 0 : index
    %swap3A_65 = arith.constant 0 : index
    %swap3A_66 = vector.load %arg6[%swap3A_63, %swap3A_64, %swap3A_65] : memref<4x16x1024xf32, #tpu.memory_space<vmem>>, vector<4x16x1024xf32>
    tpu.vector_store %arg6[%swap3A_63, %swap3A_64, %swap3A_65], %transpose3A_62 {strides = array<i32>} : memref<4x16x1024xf32, #tpu.memory_space<vmem>>, vector<4x16x1024xf32>,
    return
  }
  func.func @transform_0(%arg0: i32) -> (i32, i32) {
    %c0_i32 = arith.constant 0 : i32
    %c0_i32_0 = arith.constant 0 : i32
    return %arg0, %c0_i32 : i32, i32
  }
  func.func @transform_1(%arg0: i32) -> (i32, i32) {
    %c0_i32 = arith.constant 0 : i32
    %c0_i32_0 = arith.constant 0 : i32
    %c0_i32_1 = arith.constant 0 : i32
    return %c0_i32, %c0_i32_0 : i32, i32
  }
  func.func @transform_2(%arg0: i32) -> i32 {
    %c0_i32 = arith.constant 0 : i32
    %c0_i32_0 = arith.constant 0 : i32
    return %c0_i32 : i32
  }
  func.func @transform_3(%arg0: i32) -> (i32, i32) {
    %c0_i32 = arith.constant 0 : i32
    %c0_i32_0 = arith.constant 0 : i32
    return %arg0, %c0_i32 : i32, i32
  }
  func.func @transform_4(%arg0: i32) -> (i32, i32, i32) {
    %c0_i32 = arith.constant 0 : i32
    %c0_i32_0 = arith.constant 0 : i32
    %c0_i32_1 = arith.constant 0 : i32
    return %arg0, %c0_i32, %c0_i32_0 : i32, i32, i32
  }
  func.func @transform_5(%arg0: i32) -> (i32, i32, i32) {
    %c0_i32 = arith.constant 0 : i32
    %c0_i32_0 = arith.constant 0 : i32
    %c0_i32_1 = arith.constant 0 : i32
    return %arg0, %c0_i32, %c0_i32_0 : i32, i32, i32
  }
}

</mosaic_0001>

<sc_bundles>
// kernel: kernel.4.cloned.1.call-start
scs
__scs_entry_jumppad:
0x0: {  	(pc) =	sbr.rel $0x88, $3  }
0x1: {  	(tag) =	ssettag $0x0;
	lr =	simm.s32 $0x1  }
0x2: {  	[smem:$0x3F9E] =	sst lr;
	_ =	strace $0xD0000000  }
0x3: {  	_ = 	snop  }
0x4: {  	_ = 	snop  }
0x5: {  	_ = 	snop  }
0x6: {  	_ = 	snop  }
0x7: {  	_ = 	snop  }
__scs_overlays_trampoline_lowered:
0x8: {  	[smem:$0x3FAD] =	sst s0  }
0x9: {  	[smem:$0x3FAE] =	sst s1  }
0xa: {  	[smem:$0x3FAF] =	sst s2  }
0xb: {  	[smem:$0x3FB0] =	sst s3  }
0xc: {  	[smem:$0x3FB1] =	sst s4  }
0xd: {  	[smem:$0x3FB2] =	sst s5  }
0xe: {  	[smem:$0x3FB3] =	sst s6  }
0xf: {  	[smem:$0x3FB4] =	sst s7  }
0x10: {  	[smem:$0x3FB5] =	sst s8  }
0x11: {  	[smem:$0x3FB6] =	sst s9;
	s0 =	simm.s32 @!p0 $0x0  }
0x12: {  	s1 =	sld [smem:$0x3F9C];
	s0 =	simm.s32 @p0 $0x1  }
0x13: {  	[smem:$0x3FB7] =	sst s0;
	s0 =	simm.s32 @!p1 $0x0  }
0x14: {  	s2 =	sld [smem:$0x3F9B];
	s0 =	simm.s32 @p1 $0x1  }
0x15: {  	[smem:$0x3FB8] =	sst s0;
	s0 =	simm.s32 @!p2 $0x0  }
0x16: {  	s3 =	sld [smem:$0x3FDB];
	s0 =	simm.s32 @p2 $0x1  }
0x17: {  	s4 =	simm.s32 $0x1BF5;
	[smem:$0x3FBA] =	sst s0  }
0x18: {  	s0 =	sld [smem:$0x3F9D];
	_ =	swait.ge [sflag:s4], $0x0  }
0x19: {  	s7 =	sld [smem:$0x3F9E]  }
0x1a: {  	s8 =	sadd.s32 $0xFFFFE003, lr  }
0x1b: {  	s9 =	sadd.s32 $0xFFFFFEF7, lr;
	s5 =	simm.s32 $0xFFFFFFFF;
	p2 =	slt.u32 s8, $0xFFFFF086  }
0x1c: {  	p1 =	slt.u32 s9, $0xF7A;
	s5 =	simm.s32 @!p2 $0x0  }
0x1d: {  	s5 =	simm.s32 @p1 $0x1;
	p0 =	seq.s32 s7, s2  }
0x1e: {  	s7 =	smul.u32 @!p0 $0xF7A, s2;
	p2 =	seq.s32 @!p0 s5, $0x0  }
0x1f: {  	s9 =	smul.u32 $0xF7A, s1;
	s8 =	simm.s32 @!p0 $0x1BF5;
	p2 =	por !p2, p0  }
0x20: {  	[sflag:s8] =	ssyncset.s32 @!p0 $0xFFFFF086;
	s6 =	sadd.s32 @!p0 s3, s7;
	s7 =	simm.s32 @!p0 $0x108  }
0x21: {  	s3 =	sadd.s32 s3, s9;
	s6 =	sadd.s32 @!p0 $0x88, s6;
	s7 =	simm.s32 @p2 $0x1082  }
0x22: {  	[simem:s7], [sflag:s8] =	dma.local @!p0 [hbm:s6], $0xF7A  }
0x23: {  	s9 =	sor.u32 $0xD0000000, s2;
	s6 =	simm.s32 $0x108;
	_ =	swait.ge @!p0 [sflag:s8], $0x0  }
0x24: {  	s3 =	sadd.s32 $0x88, s3;
	s6 =	simm.s32 @!p1 $0x1082;
	[sflag:s4] =	ssyncset.s32 $0xFFFFF086  }
0x25: {  	[simem:s6], [sflag:s4] =	dma.local [hbm:s3], $0xF7A  }
0x26: {  	[smem:$0x3F9E] =	sst s1;
	(tag) =	ssettag s2;
	_ =	strace s9  }
0x27: {  	s1 =	sld [smem:$0x3FAE]  }
0x28: {  	s2 =	sld [smem:$0x3FAF]  }
0x29: {  	s4 =	sld [smem:$0x3FB1]  }
0x2a: {  	p0 =	seq.s32 s5, $0x0;
	s5 =	sld [smem:$0x3FB2]  }
0x2b: {  	s6 =	sld [smem:$0x3FB3]  }
0x2c: {  	s7 =	sld [smem:$0x3FB4]  }
0x2d: {  	s3 =	simm.s32 $0x108;
	s8 =	sld [smem:$0x3FB5]  }
0x2e: {  	s3 =	simm.s32 @!p0 $0x1082;
	s9 =	sld [smem:$0x3FB6]  }
0x2f: {  	lr =	sadd.s32 s0, s3;
	s0 =	sld [smem:$0x3FAD]  }
0x30: {  	s3 =	sld [smem:$0x3FB0]  }
0x31: {  	[smem:$0x3FB9] =	sst s10  }
0x32: {  	s10 =	sld [smem:$0x3FB7];
	_ =	sdelay $0x3  }
0x33: {  	p0 =	seq.s32 s10, $0x1;
	s10 =	sld [smem:$0x3FB9];
	_ =	sdelay $0x3  }
0x34: {  	[smem:$0x3FB9] =	sst s10  }
0x35: {  	s10 =	sld [smem:$0x3FB8];
	_ =	sdelay $0x3  }
0x36: {  	p1 =	seq.s32 s10, $0x1;
	s10 =	sld [smem:$0x3FB9];
	_ =	sdelay $0x3  }
0x37: {  	[smem:$0x3FB9] =	sst s10  }
0x38: {  	s10 =	sld [smem:$0x3FBA]  }
0x39: {  	_ = 	snop;
	(pc) =	sbr.ind lr, $3  }
0x3a: {  	_ = 	snop  }
0x3b: {  	_ = 	snop  }
0x3c: {  	p2 =	seq.s32 s10, $0x1;
	s10 =	sld [smem:$0x3FB9]  }
0x3d: {  	_ =	shalt  }
0x3e: {  	_ =	shalt  }
0x3f: {  	_ =	shalt  }
0x40: {  	_ =	shalt  }
0x41: {  	_ =	shalt  }
0x42: {  	_ =	shalt  }
0x43: {  	_ =	shalt  }
0x44: {  	_ =	shalt  }
0x45: {  	_ =	shalt  }
0x46: {  	_ =	shalt  }
0x47: {  	_ =	shalt  }
0x48: {  	_ =	shalt  }
0x49: {  	_ =	shalt  }
0x4a: {  	_ =	shalt  }
0x4b: {  	_ =	shalt  }
0x4c: {  	_ =	shalt  }
0x4d: {  	_ =	shalt  }
0x4e: {  	_ =	shalt  }
0x4f: {  	_ =	shalt  }
0x50: {  	_ =	shalt  }
0x51: {  	_ =	shalt  }
0x52: {  	_ =	shalt  }
0x53: {  	_ =	shalt  }
0x54: {  	_ =	shalt  }
0x55: {  	_ =	shalt  }
0x56: {  	_ =	shalt  }
0x57: {  	_ =	shalt  }
0x58: {  	_ =	shalt  }
0x59: {  	_ =	shalt  }
0x5a: {  	_ =	shalt  }
0x5b: {  	_ =	shalt  }
0x5c: {  	_ =	shalt  }
0x5d: {  	_ =	shalt  }
0x5e: {  	_ =	shalt  }
0x5f: {  	_ =	shalt  }
0x60: {  	_ =	shalt  }
0x61: {  	_ =	shalt  }
0x62: {  	_ =	shalt  }
0x63: {  	_ =	shalt  }
0x64: {  	_ =	shalt  }
0x65: {  	_ =	shalt  }
0x66: {  	_ =	shalt  }
0x67: {  	_ =	shalt  }
0x68: {  	_ =	shalt  }
0x69: {  	_ =	shalt  }
0x6a: {  	_ =	shalt  }
0x6b: {  	_ =	shalt  }
0x6c: {  	_ =	shalt  }
0x6d: {  	_ =	shalt  }
0x6e: {  	_ =	shalt  }
0x6f: {  	_ =	shalt  }
0x70: {  	_ =	shalt  }
0x71: {  	_ =	shalt  }
0x72: {  	_ =	shalt  }
0x73: {  	_ =	shalt  }
0x74: {  	_ =	shalt  }
0x75: {  	_ =	shalt  }
0x76: {  	_ =	shalt  }
0x77: {  	_ =	shalt  }
0x78: {  	_ =	shalt  }
0x79: {  	_ =	shalt  }
0x7a: {  	_ =	shalt  }
0x7b: {  	_ =	shalt  }
0x7c: {  	_ =	shalt  }
0x7d: {  	_ =	shalt  }
0x7e: {  	_ =	shalt  }
0x7f: {  	_ =	shalt  }
0x80: {  	_ =	shalt  }
0x81: {  	_ =	shalt  }
0x82: {  	_ =	shalt  }
0x83: {  	_ =	shalt  }
0x84: {  	_ =	shalt  }
0x85: {  	_ =	shalt  }
0x86: {  	_ =	shalt  }
0x87: {  	_ =	shalt  }
.Lfunc_end0:
.L_simem_size_0:
called_computation_lowered:
.L_overlay_start_0:
0x88: {  	s2 =	sld [smem:$0x3FD9]  }
0x89: {  	s3 =	sld [smem:$0x3FFE];
	_ =	sdelay $0x1  }
0x8a: {  	s1 =	srdreg.scid  }
0x8b: {  	s0 =	sand.u32 $0x1, s1  }
0x8c: {  	s14 =	sshll.u32 s0, $0xA;
	s2 =	sadd.s32 s3, s2  }
0x8d: {  	s2 =	sadd.s32 s2, s14  }
0x8e: {  	[smem:$0x3FC5] =	sst s2  }
0x8f: {  	_ = 	snop  }
0x90: {  	s2 =	sld [smem:$0x3FD0];
	_ =	sdelay $0x2  }
0x91: {  	s15 =	simm.s32 $0xA;
	s4 =	simm.s32 $0x10  }
0x92: {  	[smem:s4], [sflag:s15] =	dma.local [hbm:s2], $0x1  }
0x93: {  	_ =	swait.eq [sflag:s15], $0x1  }
0x94: {  	[sflag:s15] =	ssyncset.done $0x0  }
0x95: {  	s16 =	sld [smem:$0x11];
	[sflag:s15] =	ssyncadd.s32 $0xFFFFFFFF  }
0x96: {  	s17 =	sld [smem:$0x12];
	(tm) =	ssettm $0x1  }
0x97: {  	s18 =	sld [smem:$0x3FFB];
	_ =	sdelay $0x3  }
0x98: {  	_ =	strace s18  }
0x99: {  	s4 =	sld [smem:$0x3FFC];
	_ =	sdelay $0x3  }
0x9a: {  	_ =	strace s4  }
0x9b: {  	s4 =	sld [smem:$0x3FFD];
	_ =	sdelay $0x3  }
0x9c: {  	_ =	strace s4  }
0x9d: {  	_ =	strace $0x8FFFFFFF  }
0x9e: {  	s19 =	sld [smem:$0x3FDB];
	_ =	sdelay $0x1  }
0x9f: {  	s5 =	simm.s32 $_scs_section_size  }
0xa0: {  	s6 =	simm.s32 $_size__tile_overlayer_lowered;
	s7 =	simm.s32 $_tile_overlayer_lowered  }
0xa1: {  	s22 =	simm.s32 $0x1BFF;
	s21 =	sshll.u32 s7, $0x1;
	s4 =	sadd.s32 s5, s19  }
0xa2: {  	s8 =	simm.s32 $0x0;
	s20 =	sshll.u32 s6, $0x1;
	s6 =	sadd.s32 s21, s4  }
0xa3: {  	[timem:s8], [sflag:s22] =	dma.local [hbm:s6], s20  }
0xa4: {  	_ =	swait.ge [sflag:s22], s20  }
0xa5: {  	s5 =	ssub.s32 $0x0, s20;
	[sflag:s22] =	ssyncset.done $0x0  }
0xa6: {  	[sflag:s22] =	ssyncadd.s32 s5;
	_ =	sdelay $0x1  }
0xa7: {  	s23 =	simm.s32 $0x1B8B  }
0xa8: {  	_ =	swait.ge [sflag:s23], $0x1  }
0xa9: {  	[sflag:s23] =	ssyncset.done $0x0  }
0xaa: {  	s25 =	simm.s32 $0x1B8E;
	s24 =	sld [smem:$0x3FFE];
	[sflag:s23] =	ssyncadd.s32 $0xFFFFFFFF  }
0xab: {  	s26 =	simm.s32 $execute0_lowered;
	[smem:$0x3FD2] =	sst s25  }
0xac: {  	s6 =	sshll.u32 s26, $0x1;
	_ =	strace $0x80000046;
	[dreg:$0x1] =	wrdreg $0xFFFFFFFF  }
0xad: {  	s28 =	simm.s32 $_size_execute0_lowered;
	s4 =	sadd.s32 s4, s6;
	[dreg:$0x0] =	wrdreg $0x0  }
0xae: {  	s6 =	sshll.u32 s28, $0x1;
	[dreg:$0x2] =	wrdreg s4  }
0xaf: {  	[dreg:$0x3] =	wrdreg s6  }
0xb0: {  	[dreg:$0x4] =	wrdreg $0xC0  }
0xb1: {  	_ =	task [dreg:s8], $0x5FFFF  }
0xb2: {  	[dreg:$0x1] =	wrdreg $0xFFFFFFFF  }
0xb3: {  	[dreg:$0x0] =	wrdreg $0x60  }
0xb4: {  	[dreg:$0x2] =	wrdreg s24  }
0xb5: {  	[dreg:$0x3] =	wrdreg s16  }
0xb6: {  	[dreg:$0x4] =	wrdreg s17  }
0xb7: {  	[dreg:$0x5] =	wrdreg $0x9  }
0xb8: {  	_ =	task.clear_ibuf [dreg:s8], $0x6FFFF;
	_ =	strace $0x90000046  }
0xb9: {  	s29 =	simm.s32 $0x9;
	_ =	strace $0x80000048  }
0xba: {  	_ =	swait.ge [sflag:s29], $0x1  }
0xbb: {  	[sflag:s29] =	ssyncadd.s32 $0xFFFFFFFF  }
0xbc: {  	_ =	strace $0x90000048  }
0xbd: {  	_ =	sfence  }
0xbe: {  	s30 =	sld [smem:$0x0];
	_ =	sdelay $0x2  }
0xbf: {  	s31 =	sshll.u32 s1, $0xD;
	s1 =	sshrl.u32 s1, $0x2  }
0xc0: {  	s3 =	sand.u32 $0x4000, s31;
	s1 =	sadd.s32 s1, s30  }
0xc1: {  	s0 =	sor.u32 s3, s0;
	s1 =	sshll.u32 s1, $0x11  }
0xc2: {  	s0 =	sor.u32 s1, s0  }
0xc3: {  	s0 =	sadd.s32 $0x8F2B, s0  }
0xc4: {  	[sflag:s0] =	ssyncadd.remote.s32 $0x1  }
0xc5: {  	_ =	sfence.sel $0xFFFF  }
0xc6: {  	[dreg:$0x0] =	wrdreg $0xFFFFFFFF;
	(pc) =	sbr.abs _section_cstart, $3  }
0xc7: {  	[dreg:$0x1] =	wrdreg $0xFFFFFFFF  }
0xc8: {  	_ =	task.clear_ibuf [dreg:s8], $0x2FFFF;
	_ =	strace $0x9FFFFFFF  }
0xc9: {  	(tm) =	ssettm $0x7FFFFFFF  }
tec
execute0_lowered:
.L_overlay_start_1:
0x0: {  	(tag) =	ssettag $0x1  }
0x1: {  	s0 =	rddreg [dreg:$0x0]  }
0x2: {  	s1 =	rddreg [dreg:$0x1]  }
0x3: {  	s8 =	rddreg [dreg:$0x2]  }
0x4: {  	s3 =	srdreg.scid;
	s4 =	stileid.u32  }
0x5: {  	s2 =	simm.s32 $0x0;
	s12 =	simm.s32 $0x80;
	s13 =	simm.s32 $0x100  }
0x6: {  	s18 =	simm.s32 $0x0;
	s3 =	sand.u32 $0x1, s3;
	s4 =	sshll.u32 s4, $0x1  }
0x7: {  	[smem:$0x7FF] =	sst s2;
	s4 =	sor.u32 s3, s4;
	s3 =	ssub.s32 $0x2, s3  }
0x8: {  	_ =	strace $0x80000047;
	s5 =	sshll.u32 s4, $0xB;
	s31 =	sshrl.u32 s3, $0x1  }
0x9: {  	s7 =	sshll.u32 s4, $0x8;
	s0 =	sadd.s32 s5, s0;
	s9 =	ssub.s32 s3, s31  }
0xa: {  	s10 =	sor.u32 $0x10, s7;
	s5 =	sadd.s32 s1, s7;
	s7 =	sadd.s32 s8, s7  }
0xb: {  	s3 =	sadd.s32 $0x1000, s0;
	s4 =	sadd.s32 $0x11000, s0;
	s6 =	sadd.s32 s1, s10  }
0xc: {  	v0 =	vimm.s32 $0x0;
	s8 =	sadd.s32 s8, s10;
	s9 =	smax.u32 s9, $0x1;
	s10 =	simm.s32 $0x1  }
.LBB2_1:
0xd: {  	[tilespmem:s2], [sflag:$0x1] =	stream.linear.gather [hbm4b:s3+s2], $0x4000, $0x38;
	[tilespmem:$0x9000] =	vst v63  }
0xe: {  	_ =	swait.ge [sflag:s10], $0x4000  }
0xf: {  	[sflag:s10] =	ssyncset.done $0x0  }
0x10: {  	s0 =	simm.s32 $0x4000;
	p0 =	por $0x0, $0x0;
	[sflag:s10] =	ssyncadd.s32 $0xFFFFC000  }
0x11: {  	[tilespmem:s0], [sflag:$0x1] =	stream.linear.gather [hbm4b:s4+s2], $0x4000, $0x38;
	[tilespmem:$0x9000] =	vst v63  }
0x12: {  	s19 =	simm.s32 $0x8C00;
	s20 =	simm.s32 $0x8800;
	_ =	swait.ge [sflag:s10], $0x4000  }
0x13: {  	s21 =	simm.s32 $0x8400;
	s22 =	simm.s32 $0x8000;
	[sflag:s10] =	ssyncset.done $0x0  }
0x14: {  	s23 =	simm.s32 $0x0;
	s24 =	simm.s32 $0x0;
	[sflag:s10] =	ssyncadd.s32 $0xFFFFC000  }
.LBB2_2:
0x15: {  	s11 =	sand.u32 $0x40, s23;
	s14 =	sand.u32 $0x1C00, s24  }
0x16: {  	s1 =	sor.u32 s11, s14  }
0x17: {  	v1 =	vld [tilespmem:s1+$0x0]  }
0x18: {  	s28 =	sor.u32 $0x10, s11;
	v8 =	vld [tilespmem:s1+$0x80]  }
0x19: {  	s26 =	sor.u32 $0x20, s11;
	v2 =	vld [tilespmem:s1+$0x4000];
	s0 =	sor.u32 s14, s28  }
0x1a: {  	s25 =	sor.u32 $0x30, s11;
	s31 =	sor.u32 s14, s26;
	v3 =	vld [tilespmem:s0+$0x0]  }
0x1b: {  	s30 =	sor.u32 s14, s25;
	v5 =	vld [tilespmem:s31+$0x0]  }
0x1c: {  	v7 =	vld [tilespmem:s30+$0x0];
	vm0 =	vlt.f32 v1, $-Inf  }
0x1d: {  	v14 =	vld [tilespmem:s0+$0x80];
	vm1 =	vgt.f32 v1, $-Inf;
	v9 =	vmin.f32 v1, $-Inf;
	vm8 =	vgt.f32 v8, v1  }
0x1e: {  	v17 =	vld [tilespmem:s31+$0x80];
	v15 =	vmin.f32 v8, v1;
	v1 =	vmax.f32 v8, v1;
	vm0 =	vmor vm1, vm0  }
0x1f: {  	v21 =	vld [tilespmem:s30+$0x80];
	vm13 =	vlt.f32 v3, $-Inf;
	vm2 =	vgt.f32 v3, $-Inf;
	v10 =	vmin.f32 v3, $-Inf  }
0x20: {  	v24 =	vld [tilespmem:s1+$0x100];
	vm15 =	vlt.f32 v5, $-Inf;
	vm4 =	vgt.f32 v5, $-Inf;
	v12 =	vmin.f32 v5, $-Inf  }
0x21: {  	vm6 =	vlt.f32 v7, $-Inf;
	vm7 =	vgt.f32 v7, $-Inf;
	v16 =	vmin.f32 v7, $-Inf  }
0x22: {  	v4 =	vld [tilespmem:s0+$0x4000];
	vm9 =	vmneg vm8;
	vm3 =	vgt.f32 v15, v9;
	v18 =	vsel vm8, $0x1, v0  }
0x23: {  	v6 =	vld [tilespmem:s31+$0x4000];
	v9 =	vmax.f32 v15, v9;
	vm11 =	vgt.f32 v14, v3;
	v52 =	vmin.f32 v14, v3  }
0x24: {  	v25 =	vld [tilespmem:s0+$0x100];
	v22 =	vmin.f32 v17, v5;
	v3 =	vmax.f32 v14, v3;
	v57 =	vmin.f32 v21, v7  }
0x25: {  	v11 =	vld [tilespmem:s30+$0x4000];
	v61 =	vmin.f32 v24, v1;
	v2 =	vnsel vm0, $0x0, v2;
	vm14 =	vmor vm2, vm13  }
0x26: {  	v13 =	vld [tilespmem:s1+$0x4080];
	vm5 =	vmor vm4, vm15;
	vm0 =	vmor vm7, vm6;
	vm10 =	vmand vm3, vm9  }
0x27: {  	vm12 =	vmneg vm11;
	vm13 =	vgt.f32 v52, v10;
	v20 =	vsel vm11, $0x1, v0  }
0x28: {  	vm6 =	vgt.f32 v22, v12;
	v10 =	vmax.f32 v52, v10;
	v12 =	vmax.f32 v22, v12  }
0x29: {  	v60 =	vmax.f32 v57, v16;
	v28 =	vmin.f32 v25, v3;
	v4 =	vnsel vm14, $0x0, v4  }
0x2a: {  	v51 =	vld [tilespmem:s0+$0x4080];
	v6 =	vnsel vm5, $0x0, v6;
	v11 =	vnsel vm0, $0x0, v11;
	v19 =	vsel vm10, $0x1, v0  }
0x2b: {  	v53 =	vld [tilespmem:s31+$0x4080];
	v2 =	vsel vm8, v13, v2;
	vm1 =	vmand vm13, vm12;
	vm14 =	vgt.f32 v17, v5  }
0x2c: {  	v54 =	vld [tilespmem:s30+$0x4080];
	vm8 =	vgt.f32 v21, v7;
	v5 =	vmax.f32 v17, v5;
	vm10 =	vgt.f32 v57, v16  }
0x2d: {  	v27 =	vld [tilespmem:s31+$0x100];
	v7 =	vmax.f32 v21, v7;
	vm12 =	vgt.f32 v61, v9;
	v9 =	vmax.f32 v61, v9  }
0x2e: {  	v31 =	vld [tilespmem:s30+$0x100];
	vm13 =	vgt.f32 v25, v3;
	v3 =	vmax.f32 v25, v3;
	v23 =	vsel vm1, $0x1, v0  }
0x2f: {  	v39 =	vld [tilespmem:s0+$0x180];
	vm15 =	vmneg vm14;
	v4 =	vsel vm11, v51, v4;
	v55 =	vsel vm14, $0x1, v0  }
0x30: {  	v6 =	vsel vm14, v53, v6;
	vm9 =	vmneg vm8;
	v59 =	vsel vm8, $0x1, v0  }
0x31: {  	v58 =	vld [tilespmem:s1+$0x4100];
	v8 =	vsel vm8, v54, v11;
	vm11 =	vgt.f32 v24, v1;
	v1 =	vmax.f32 v24, v1  }
0x32: {  	v62 =	vld [tilespmem:s0+$0x4100];
	vm14 =	vgt.f32 v28, v10;
	v30 =	vsel vm13, $0x2, v20;
	v20 =	vnsel vm13, $0x2, v20  }
0x33: {  	v10 =	vmax.f32 v28, v10;
	v32 =	vmin.f32 v27, v5;
	vm5 =	vgt.f32 v31, v7  }
0x34: {  	v33 =	vld [tilespmem:s30+$0x4100];
	v36 =	vmin.f32 v31, v7;
	v7 =	vmax.f32 v31, v7;
	v44 =	vmin.f32 v39, v3  }
0x35: {  	v35 =	vld [tilespmem:s1+$0x180];
	vm7 =	vmand vm6, vm15;
	vm1 =	vmand vm10, vm9;
	v63 =	vsel vm11, $0x2, v18  }
0x36: {  	v18 =	vnsel vm11, $0x2, v18;
	v2 =	vsel vm11, v58, v2;
	v20 =	vsel vm14, v20, v23  }
0x37: {  	v47 =	vld [tilespmem:s30+$0x180];
	v4 =	vsel vm13, v62, v4;
	vm15 =	vgt.f32 v27, v5;
	vm4 =	vgt.f32 v32, v12  }
0x38: {  	v5 =	vmax.f32 v27, v5;
	v12 =	vmax.f32 v32, v12;
	vm6 =	vgt.f32 v36, v60  }
0x39: {  	v29 =	vld [tilespmem:s31+$0x4100];
	v38 =	vsel vm5, $0x2, v59;
	v22 =	vnsel vm5, $0x2, v59;
	v8 =	vsel vm5, v33, v8  }
0x3a: {  	v11 =	vmax.f32 v36, v60;
	v40 =	vmin.f32 v35, v1;
	vm9 =	vgt.f32 v39, v3  }
0x3b: {  	v41 =	vld [tilespmem:s0+$0x4180];
	vm10 =	vgt.f32 v44, v10;
	v3 =	vmax.f32 v39, v3;
	v10 =	vmax.f32 v44, v10  }
0x3c: {  	v43 =	vld [tilespmem:s31+$0x180];
	vm13 =	vgt.f32 v47, v7;
	v52 =	vmin.f32 v47, v7;
	v7 =	vmax.f32 v47, v7  }
0x3d: {  	v56 =	vsel vm7, $0x1, v0;
	v26 =	vsel vm1, $0x1, v0;
	v18 =	vsel vm12, v18, v19  }
0x3e: {  	s11 =	simm.s32 $0x1;
	v49 =	vld [tilespmem:s30+$0x4180];
	v34 =	vsel vm15, $0x2, v55;
	v13 =	vnsel vm15, $0x2, v55;
	v6 =	vsel vm15, v29, v6  }
0x3f: {  	s11 =	simm.s32 @!p0 $0x0;
	vm7 =	vgt.f32 v35, v1;
	vm8 =	vgt.f32 v40, v9;
	v1 =	vmax.f32 v35, v1  }
0x40: {  	v37 =	vld [tilespmem:s1+$0x4180];
	s11 =	sshll.u32 s11, $0x6;
	v9 =	vmax.f32 v40, v9;
	v46 =	vsel vm9, $0x3, v30;
	v19 =	vnsel vm9, $0x3, v30  }
0x41: {  	s15 =	sadd.s32 s11, s24;
	v4 =	vsel vm9, v41, v4;
	vm11 =	vgt.f32 v43, v5;
	v48 =	vmin.f32 v43, v5  }
0x42: {  	v45 =	vld [tilespmem:s31+$0x4180];
	s11 =	sor.u32 $0x200, s15;
	v5 =	vmax.f32 v43, v5;
	vm14 =	vgt.f32 v52, v11;
	v54 =	vsel vm13, $0x3, v38  }
0x43: {  	v51 =	vld [tilespmem:s11+$0x0];
	v17 =	vnsel vm13, $0x3, v38;
	v8 =	vsel vm13, v49, v8;
	v11 =	vmax.f32 v52, v11  }
0x44: {  	s14 =	sadd.s32 $0x10, s15;
	v13 =	vsel vm4, v13, v56;
	v22 =	vsel vm6, v22, v26;
	v42 =	vsel vm7, $0x3, v63  }
0x45: {  	s16 =	sor.u32 $0x200, s14;
	v53 =	vld [tilespmem:s11+$0x4000];
	s11 =	sadd.s32 $0x20, s15;
	v21 =	vnsel vm7, $0x3, v63;
	v2 =	vsel vm7, v37, v2;
	v19 =	vsel vm10, v19, v20  }
0x46: {  	s17 =	sor.u32 $0x200, s11;
	v55 =	vld [tilespmem:s16+$0x0];
	vm12 =	vgt.f32 v48, v12;
	v50 =	vsel vm11, $0x3, v34;
	v23 =	vnsel vm11, $0x3, v34  }
0x47: {  	v59 =	vld [tilespmem:s17+$0x0];
	v6 =	vsel vm11, v45, v6;
	v12 =	vmax.f32 v48, v12;
	v18 =	vsel vm8, v21, v18  }
0x48: {  	v13 =	vsel vm12, v23, v13;
	v17 =	vsel vm14, v17, v22;
	v56 =	vmin.f32 v51, v1  }
0x49: {  	v57 =	vld [tilespmem:s16+$0x4000];
	vm15 =	vgt.f32 v51, v1;
	v1 =	vmax.f32 v51, v1;
	vm4 =	vgt.f32 v56, v9  }
0x4a: {  	s29 =	sadd.s32 $0x30, s15;
	v58 =	vsel vm15, $0x4, v42;
	v24 =	vnsel vm15, $0x4, v42;
	v2 =	vsel vm15, v53, v2  }
0x4b: {  	v61 =	vld [tilespmem:s17+$0x4000];
	s17 =	sor.u32 $0x200, s29;
	v9 =	vmax.f32 v56, v9;
	v18 =	vsel vm4, v24, v18;
	vm5 =	vgt.f32 v55, v3  }
0x4c: {  	v63 =	vld [tilespmem:s17+$0x0];
	v60 =	vmin.f32 v55, v3;
	v3 =	vmax.f32 v55, v3;
	vm7 =	vgt.f32 v59, v5  }
0x4d: {  	v29 =	vmin.f32 v59, v5;
	v5 =	vmax.f32 v59, v5;
	vm6 =	vgt.f32 v60, v10  }
0x4e: {  	v30 =	vld [tilespmem:s17+$0x4000];
	s17 =	sor.u32 $0x280, s15;
	v62 =	vsel vm5, $0x4, v46;
	v21 =	vnsel vm5, $0x4, v46;
	v4 =	vsel vm5, v57, v4  }
0x4f: {  	v32 =	vld [tilespmem:s17+$0x0];
	v10 =	vmax.f32 v60, v10;
	vm8 =	vgt.f32 v29, v12;
	v31 =	vsel vm7, $0x4, v50  }
0x50: {  	v20 =	vnsel vm7, $0x4, v50;
	v6 =	vsel vm7, v61, v6;
	v12 =	vmax.f32 v29, v12  }
0x51: {  	v34 =	vld [tilespmem:s17+$0x4000];
	s17 =	sor.u32 $0x280, s14;
	vm9 =	vgt.f32 v63, v7;
	v33 =	vmin.f32 v63, v7;
	v7 =	vmax.f32 v63, v7  }
0x52: {  	v36 =	vld [tilespmem:s17+$0x0];
	v19 =	vsel vm6, v21, v19;
	v13 =	vsel vm8, v20, v13;
	vm10 =	vgt.f32 v33, v11  }
0x53: {  	v35 =	vsel vm9, $0x4, v54;
	v23 =	vnsel vm9, $0x4, v54;
	v8 =	vsel vm9, v30, v8  }
0x54: {  	v38 =	vld [tilespmem:s17+$0x4000];
	s17 =	sor.u32 $0x280, s11;
	v11 =	vmax.f32 v33, v11;
	vm11 =	vgt.f32 v32, v1;
	v37 =	vmin.f32 v32, v1  }
0x55: {  	v40 =	vld [tilespmem:s17+$0x0];
	v1 =	vmax.f32 v32, v1;
	v17 =	vsel vm10, v23, v17;
	vm12 =	vgt.f32 v37, v9  }
0x56: {  	v39 =	vsel vm11, $0x5, v58;
	v22 =	vnsel vm11, $0x5, v58;
	v2 =	vsel vm11, v34, v2  }
0x57: {  	v42 =	vld [tilespmem:s17+$0x4000];
	s17 =	sor.u32 $0x280, s29;
	v9 =	vmax.f32 v37, v9;
	vm13 =	vgt.f32 v36, v3;
	v41 =	vmin.f32 v36, v3  }
0x58: {  	v44 =	vld [tilespmem:s17+$0x0];
	v3 =	vmax.f32 v36, v3;
	v18 =	vsel vm12, v22, v18;
	vm14 =	vgt.f32 v41, v10  }
0x59: {  	v43 =	vsel vm13, $0x5, v62;
	v24 =	vnsel vm13, $0x5, v62;
	v4 =	vsel vm13, v38, v4  }
0x5a: {  	v46 =	vld [tilespmem:s17+$0x4000];
	s17 =	sor.u32 $0x300, s15;
	v10 =	vmax.f32 v41, v10;
	vm15 =	vgt.f32 v40, v5;
	v45 =	vmin.f32 v40, v5  }
0x5b: {  	v48 =	vld [tilespmem:s17+$0x0];
	v5 =	vmax.f32 v40, v5;
	v19 =	vsel vm14, v24, v19;
	vm4 =	vgt.f32 v45, v12  }
0x5c: {  	v47 =	vsel vm15, $0x5, v31;
	v21 =	vnsel vm15, $0x5, v31;
	v6 =	vsel vm15, v42, v6  }
0x5d: {  	v50 =	vld [tilespmem:s17+$0x4000];
	s17 =	sor.u32 $0x300, s14;
	v12 =	vmax.f32 v45, v12;
	vm5 =	vgt.f32 v44, v7;
	v49 =	vmin.f32 v44, v7  }
0x5e: {  	v52 =	vld [tilespmem:s17+$0x0];
	v7 =	vmax.f32 v44, v7;
	v13 =	vsel vm4, v21, v13;
	vm6 =	vgt.f32 v49, v11  }
0x5f: {  	v51 =	vsel vm5, $0x5, v35;
	v20 =	vnsel vm5, $0x5, v35;
	v8 =	vsel vm5, v46, v8  }
0x60: {  	v54 =	vld [tilespmem:s17+$0x4000];
	s17 =	sor.u32 $0x300, s11;
	v11 =	vmax.f32 v49, v11;
	v17 =	vsel vm6, v20, v17;
	v53 =	vmin.f32 v48, v1  }
0x61: {  	v56 =	vld [tilespmem:s17+$0x0];
	vm7 =	vgt.f32 v48, v1;
	v1 =	vmax.f32 v48, v1;
	vm8 =	vgt.f32 v53, v9  }
0x62: {  	v55 =	vsel vm7, $0x6, v39;
	v23 =	vnsel vm7, $0x6, v39;
	v2 =	vsel vm7, v50, v2  }
0x63: {  	v58 =	vld [tilespmem:s17+$0x4000];
	s17 =	sor.u32 $0x300, s29;
	v9 =	vmax.f32 v53, v9;
	vm9 =	vgt.f32 v52, v3;
	v57 =	vmin.f32 v52, v3  }
0x64: {  	v60 =	vld [tilespmem:s17+$0x0];
	v3 =	vmax.f32 v52, v3;
	v18 =	vsel vm8, v23, v18;
	vm10 =	vgt.f32 v57, v10  }
0x65: {  	s16 =	sor.u32 s23, s24;
	v59 =	vsel vm9, $0x6, v43;
	v22 =	vnsel vm9, $0x6, v43;
	v4 =	vsel vm9, v54, v4  }
0x66: {  	v62 =	vld [tilespmem:s17+$0x4000];
	s17 =	sor.u32 $0x380, s16;
	v10 =	vmax.f32 v57, v10;
	vm11 =	vgt.f32 v56, v5;
	v61 =	vmin.f32 v56, v5  }
0x67: {  	v30 =	vld [tilespmem:s17+$0x0];
	v5 =	vmax.f32 v56, v5;
	v19 =	vsel vm10, v22, v19;
	vm12 =	vgt.f32 v61, v12  }
0x68: {  	v63 =	vsel vm11, $0x6, v47;
	v24 =	vnsel vm11, $0x6, v47;
	v6 =	vsel vm11, v58, v6  }
0x69: {  	v32 =	vld [tilespmem:s17+$0x4000];
	s17 =	sor.u32 $0x380, s14;
	v12 =	vmax.f32 v61, v12;
	vm13 =	vgt.f32 v60, v7;
	v31 =	vmin.f32 v60, v7  }
0x6a: {  	v34 =	vld [tilespmem:s17+$0x0];
	v7 =	vmax.f32 v60, v7;
	v13 =	vsel vm12, v24, v13;
	vm14 =	vgt.f32 v31, v11  }
0x6b: {  	v46 =	vld [tilespmem:s1+$0x2000];
	v33 =	vsel vm13, $0x6, v51;
	v21 =	vnsel vm13, $0x6, v51;
	v8 =	vsel vm13, v62, v8  }
0x6c: {  	v11 =	vmax.f32 v31, v11;
	vm15 =	vgt.f32 v30, v1;
	v35 =	vmin.f32 v30, v1  }
0x6d: {  	v36 =	vld [tilespmem:s17+$0x4000];
	s17 =	sor.u32 $0x380, s11;
	v1 =	vmax.f32 v30, v1;
	v17 =	vsel vm14, v21, v17;
	vm4 =	vgt.f32 v35, v9  }
0x6e: {  	v38 =	vld [tilespmem:s17+$0x0];
	v37 =	vsel vm15, $0x7, v55;
	v20 =	vnsel vm15, $0x7, v55;
	v2 =	vsel vm15, v32, v2  }
0x6f: {  	v9 =	vmax.f32 v35, v9;
	vm5 =	vgt.f32 v34, v3;
	v39 =	vmin.f32 v34, v3  }
0x70: {  	v48 =	vld [tilespmem:s1+$0x6000];
	v3 =	vmax.f32 v34, v3;
	vm11 =	vgt.f32 v46, v1;
	v51 =	vmin.f32 v46, v1  }
0x71: {  	v50 =	vld [tilespmem:s0+$0x2000];
	v1 =	vmax.f32 v46, v1;
	v18 =	vsel vm4, v20, v18;
	vm6 =	vgt.f32 v39, v10  }
0x72: {  	v41 =	vsel vm5, $0x7, v59;
	v23 =	vnsel vm5, $0x7, v59;
	v4 =	vsel vm5, v36, v4  }
0x73: {  	v40 =	vld [tilespmem:s17+$0x4000];
	s17 =	sor.u32 $0x380, s29;
	v10 =	vmax.f32 v39, v10;
	vm7 =	vgt.f32 v38, v5;
	v43 =	vmin.f32 v38, v5  }
0x74: {  	v42 =	vld [tilespmem:s17+$0x0];
	v5 =	vmax.f32 v38, v5;
	vm12 =	vgt.f32 v51, v9;
	v53 =	vsel vm11, $0x8, v37  }
0x75: {  	v21 =	vnsel vm11, $0x8, v37;
	v2 =	vsel vm11, v48, v2;
	v9 =	vmax.f32 v51, v9  }
0x76: {  	v52 =	vld [tilespmem:s0+$0x6000];
	vm13 =	vgt.f32 v50, v3;
	v55 =	vmin.f32 v50, v3;
	v3 =	vmax.f32 v50, v3  }
0x77: {  	v54 =	vld [tilespmem:s31+$0x2000];
	v19 =	vsel vm6, v23, v19;
	vm8 =	vgt.f32 v43, v12;
	v45 =	vsel vm7, $0x7, v63  }
0x78: {  	v22 =	vnsel vm7, $0x7, v63;
	v6 =	vsel vm7, v40, v6;
	v12 =	vmax.f32 v43, v12  }
0x79: {  	v44 =	vld [tilespmem:s17+$0x4000];
	vm9 =	vgt.f32 v42, v7;
	v47 =	vmin.f32 v42, v7;
	v7 =	vmax.f32 v42, v7  }
0x7a: {  	v18 =	vsel vm12, v21, v18;
	vm14 =	vgt.f32 v55, v10;
	v57 =	vsel vm13, $0x8, v41  }
0x7b: {  	v56 =	vld [tilespmem:s31+$0x6000];
	v20 =	vnsel vm13, $0x8, v41;
	v4 =	vsel vm13, v52, v4;
	v10 =	vmax.f32 v55, v10  }
0x7c: {  	v58 =	vld [tilespmem:s30+$0x2000];
	vm15 =	vgt.f32 v54, v5;
	v59 =	vmin.f32 v54, v5;
	v5 =	vmax.f32 v54, v5  }
0x7d: {  	v13 =	vsel vm8, v22, v13;
	vm10 =	vgt.f32 v47, v11;
	v49 =	vsel vm9, $0x7, v33  }
0x7e: {  	v60 =	vld [tilespmem:s30+$0x6000];
	v24 =	vnsel vm9, $0x7, v33;
	v8 =	vsel vm9, v44, v8;
	v11 =	vmax.f32 v47, v11  }
0x7f: {  	v62 =	vld [tilespmem:s1+$0x2080];
	v19 =	vsel vm14, v20, v19;
	vm4 =	vgt.f32 v59, v12;
	v61 =	vsel vm15, $0x8, v45  }
0x80: {  	v23 =	vnsel vm15, $0x8, v45;
	v6 =	vsel vm15, v56, v6;
	v12 =	vmax.f32 v59, v12  }
0x81: {  	v30 =	vld [tilespmem:s1+$0x6080];
	vm5 =	vgt.f32 v58, v7;
	v63 =	vmin.f32 v58, v7;
	v7 =	vmax.f32 v58, v7  }
0x82: {  	v32 =	vld [tilespmem:s0+$0x2080];
	v17 =	vsel vm10, v24, v17;
	v13 =	vsel vm4, v23, v13;
	vm6 =	vgt.f32 v63, v11  }
0x83: {  	v31 =	vsel vm5, $0x8, v49;
	v22 =	vnsel vm5, $0x8, v49;
	v8 =	vsel vm5, v60, v8  }
0x84: {  	v34 =	vld [tilespmem:s0+$0x6080];
	v11 =	vmax.f32 v63, v11;
	vm7 =	vgt.f32 v62, v1;
	v33 =	vmin.f32 v62, v1  }
0x85: {  	v36 =	vld [tilespmem:s31+$0x2080];
	v1 =	vmax.f32 v62, v1;
	v17 =	vsel vm6, v22, v17;
	vm8 =	vgt.f32 v33, v9  }
0x86: {  	v48 =	vld [tilespmem:s0+$0x2100];
	v35 =	vsel vm7, $0x9, v53;
	v24 =	vnsel vm7, $0x9, v53;
	v2 =	vsel vm7, v30, v2  }
0x87: {  	v9 =	vmax.f32 v33, v9;
	vm9 =	vgt.f32 v32, v3;
	v37 =	vmin.f32 v32, v3  }
0x88: {  	v38 =	vld [tilespmem:s31+$0x6080];
	v3 =	vmax.f32 v32, v3;
	v18 =	vsel vm8, v24, v18;
	vm10 =	vgt.f32 v37, v10  }
0x89: {  	v40 =	vld [tilespmem:s30+$0x2080];
	v39 =	vsel vm9, $0x9, v57;
	v21 =	vnsel vm9, $0x9, v57;
	v4 =	vsel vm9, v34, v4  }
0x8a: {  	v10 =	vmax.f32 v37, v10;
	vm11 =	vgt.f32 v36, v5;
	v41 =	vmin.f32 v36, v5  }
0x8b: {  	v50 =	vld [tilespmem:s0+$0x6100];
	v5 =	vmax.f32 v36, v5;
	vm5 =	vgt.f32 v48, v3;
	v53 =	vmin.f32 v48, v3  }
0x8c: {  	v52 =	vld [tilespmem:s31+$0x2100];
	v3 =	vmax.f32 v48, v3;
	v19 =	vsel vm10, v21, v19;
	vm12 =	vgt.f32 v41, v12  }
0x8d: {  	v43 =	vsel vm11, $0x9, v61;
	v20 =	vnsel vm11, $0x9, v61;
	v6 =	vsel vm11, v38, v6  }
0x8e: {  	v42 =	vld [tilespmem:s30+$0x6080];
	v12 =	vmax.f32 v41, v12;
	vm13 =	vgt.f32 v40, v7;
	v45 =	vmin.f32 v40, v7  }
0x8f: {  	v44 =	vld [tilespmem:s1+$0x2100];
	v7 =	vmax.f32 v40, v7;
	vm6 =	vgt.f32 v53, v10;
	v55 =	vsel vm5, $0xA, v39  }
0x90: {  	v24 =	vnsel vm5, $0xA, v39;
	v4 =	vsel vm5, v50, v4;
	v10 =	vmax.f32 v53, v10  }
0x91: {  	v54 =	vld [tilespmem:s31+$0x6100];
	vm7 =	vgt.f32 v52, v5;
	v57 =	vmin.f32 v52, v5;
	v5 =	vmax.f32 v52, v5  }
0x92: {  	v56 =	vld [tilespmem:s30+$0x2100];
	v13 =	vsel vm12, v20, v13;
	vm14 =	vgt.f32 v45, v11;
	v47 =	vsel vm13, $0x9, v31  }
0x93: {  	v23 =	vnsel vm13, $0x9, v31;
	v8 =	vsel vm13, v42, v8;
	v11 =	vmax.f32 v45, v11  }
0x94: {  	v46 =	vld [tilespmem:s1+$0x6100];
	vm15 =	vgt.f32 v44, v1;
	v49 =	vmin.f32 v44, v1;
	v1 =	vmax.f32 v44, v1  }
0x95: {  	v19 =	vsel vm6, v24, v19;
	vm8 =	vgt.f32 v57, v12;
	v59 =	vsel vm7, $0xA, v43  }
0x96: {  	v58 =	vld [tilespmem:s30+$0x6100];
	v21 =	vnsel vm7, $0xA, v43;
	v6 =	vsel vm7, v54, v6;
	v12 =	vmax.f32 v57, v12  }
0x97: {  	v60 =	vld [tilespmem:s1+$0x2180];
	vm9 =	vgt.f32 v56, v7;
	v61 =	vmin.f32 v56, v7;
	v7 =	vmax.f32 v56, v7  }
0x98: {  	v17 =	vsel vm14, v23, v17;
	vm4 =	vgt.f32 v49, v9;
	v51 =	vsel vm15, $0xA, v35  }
0x99: {  	v62 =	vld [tilespmem:s1+$0x6180];
	v22 =	vnsel vm15, $0xA, v35;
	v2 =	vsel vm15, v46, v2;
	v9 =	vmax.f32 v49, v9  }
0x9a: {  	v33 =	vld [tilespmem:s0+$0x2180];
	v13 =	vsel vm8, v21, v13;
	vm10 =	vgt.f32 v61, v11;
	v63 =	vsel vm9, $0xA, v47  }
0x9b: {  	v20 =	vnsel vm9, $0xA, v47;
	v8 =	vsel vm9, v58, v8;
	v11 =	vmax.f32 v61, v11  }
0x9c: {  	vm11 =	vgt.f32 v60, v1;
	v34 =	vmin.f32 v60, v1;
	v1 =	vmax.f32 v60, v1  }
0x9d: {  	v37 =	vld [tilespmem:s31+$0x2180];
	v18 =	vsel vm4, v22, v18;
	v17 =	vsel vm10, v20, v17;
	vm12 =	vgt.f32 v34, v9  }
0x9e: {  	v36 =	vsel vm11, $0xB, v51;
	v23 =	vnsel vm11, $0xB, v51;
	v2 =	vsel vm11, v62, v2  }
0x9f: {  	v39 =	vld [tilespmem:s31+$0x6180];
	v9 =	vmax.f32 v34, v9;
	vm13 =	vgt.f32 v33, v3;
	v38 =	vmin.f32 v33, v3  }
0xa0: {  	v41 =	vld [tilespmem:s30+$0x2180];
	v42 =	vmax.f32 v33, v3;
	v18 =	vsel vm12, v23, v18;
	vm14 =	vgt.f32 v38, v10  }
0xa1: {  	v43 =	vld [tilespmem:s30+$0x6180];
	v40 =	vsel vm13, $0xB, v55;
	v22 =	vnsel vm13, $0xB, v55;
	v10 =	vmax.f32 v38, v10  }
0xa2: {  	s30 =	sor.u32 $0x2200, s14;
	v35 =	vld [tilespmem:s0+$0x6180];
	vm15 =	vgt.f32 v37, v5;
	v3 =	vmin.f32 v37, v5;
	v27 =	vmax.f32 v37, v5  }
0xa3: {  	s17 =	sor.u32 $0x2200, s15;
	v54 =	vld [tilespmem:s30+$0x0];
	v19 =	vsel vm14, v22, v19;
	vm4 =	vgt.f32 v3, v12;
	v44 =	vsel vm15, $0xB, v59  }
0xa4: {  	v51 =	vld [tilespmem:s17+$0x0];
	v50 =	vnsel vm15, $0xB, v59;
	v29 =	vsel vm15, v39, v6;
	v12 =	vmax.f32 v3, v12  }
0xa5: {  	vm5 =	vgt.f32 v41, v7;
	v3 =	vmin.f32 v41, v7;
	v26 =	vmax.f32 v41, v7  }
0xa6: {  	v34 =	vld [tilespmem:s30+$0x4000];
	v28 =	vsel vm4, v50, v13;
	vm6 =	vgt.f32 v3, v11;
	v30 =	vsel vm5, $0xB, v63  }
0xa7: {  	v53 =	vnsel vm5, $0xB, v63;
	v31 =	vsel vm5, v43, v8;
	v32 =	vmax.f32 v3, v11  }
0xa8: {  	v52 =	vld [tilespmem:s17+$0x4000];
	s31 =	sor.u32 $0x2280, s15;
	v16 =	vsel vm13, v35, v4;
	v17 =	vsel vm6, v53, v17;
	vm9 =	vgt.f32 v54, v42  }
0xa9: {  	v55 =	vld [tilespmem:s31+$0x0];
	v60 =	vmin.f32 v54, v42;
	v21 =	vmax.f32 v54, v42;
	vm7 =	vgt.f32 v51, v1  }
0xaa: {  	s15 =	sor.u32 $0x2300, s15;
	v56 =	vld [tilespmem:s31+$0x4000];
	v3 =	vmin.f32 v51, v1;
	v1 =	vmax.f32 v51, v1;
	vm10 =	vgt.f32 v60, v10  }
0xab: {  	v58 =	vld [tilespmem:s15+$0x0];
	s31 =	sor.u32 $0x2200, s29;
	v13 =	vsel vm9, $0xC, v40;
	v61 =	vnsel vm9, $0xC, v40;
	v46 =	vsel vm9, v34, v16  }
0xac: {  	v47 =	vld [tilespmem:s31+$0x0];
	v51 =	vmax.f32 v60, v10;
	vm8 =	vgt.f32 v3, v9;
	v33 =	vsel vm7, $0xC, v36  }
0xad: {  	v59 =	vld [tilespmem:s15+$0x4000];
	v57 =	vnsel vm7, $0xC, v36;
	v2 =	vsel vm7, v52, v2;
	v24 =	vmax.f32 v3, v9  }
0xae: {  	s17 =	sor.u32 $0x2380, s16;
	vm4 =	vgt.f32 v55, v1;
	v63 =	vmin.f32 v55, v1;
	v1 =	vmax.f32 v55, v1  }
0xaf: {  	v3 =	vld [tilespmem:s17+$0x0];
	v19 =	vsel vm10, v61, v19;
	v20 =	vsel vm8, v57, v18;
	v2 =	vsel vm4, v56, v2  }
0xb0: {  	v62 =	vld [tilespmem:s17+$0x4000];
	v14 =	vmax.f32 v63, v24;
	vm1 =	vgt.f32 v58, v1;
	v15 =	vmin.f32 v58, v1  }
0xb1: {  	s30 =	sor.u32 $0x2200, s11;
	v1 =	vmax.f32 v58, v1;
	vm6 =	vgt.f32 v47, v26;
	v56 =	vmin.f32 v47, v26  }
0xb2: {  	v35 =	vld [tilespmem:s30+$0x0];
	v26 =	vmax.f32 v47, v26;
	vm13 =	vgt.f32 v63, v24;
	v2 =	vsel vm1, v59, v2  }
0xb3: {  	v6 =	vmax.f32 v15, v14;
	vm7 =	vgt.f32 v56, v32;
	v39 =	vsel vm6, $0xC, v30  }
0xb4: {  	v30 =	vnsel vm6, $0xC, v30;
	vm0 =	vgt.f32 v3, v1;
	v7 =	vmin.f32 v3, v1  }
0xb5: {  	v45 =	vld [tilespmem:s30+$0x4000];
	s15 =	sor.u32 $0x2280, s14;
	v32 =	vmax.f32 v56, v32;
	v4 =	vsel vm0, v62, v2;
	v5 =	vmax.f32 v7, v6  }
0xb6: {  	v36 =	vld [tilespmem:s15+$0x0];
	v1 =	vmax.f32 v3, v1;
	v2 =	vand.u32 $0xFFFFFFFC, v4;
	v3 =	vand.u32 $0xFFFFFFFC, v5  }
0xb7: {  	s30 =	sor.u32 $0x2280, s11;
	v52 =	vld [tilespmem:s15+$0x4000];
	v50 =	vmin.f32 v35, v27;
	v48 =	vand.u32 $0xFFFFFFFC, v1;
	v49 =	vmax.f32 v2, v3  }
0xb8: {  	s16 =	sor.u32 $0x2300, s14;
	v61 =	vld [tilespmem:s30+$0x0];
	vm11 =	vgt.f32 v35, v27;
	v27 =	vmax.f32 v35, v27;
	v18 =	vsub.f32 v49, v48  }
0xb9: {  	v54 =	vld [tilespmem:s16+$0x0];
	v30 =	vsel vm7, v30, v17;
	vm12 =	vgt.f32 v50, v12;
	v37 =	vsel vm11, $0xC, v44  }
0xba: {  	v53 =	vnsel vm11, $0xC, v44;
	v29 =	vsel vm11, v45, v29;
	v18 =	vmul.f32 $1.442695020e+00, v18  }
0xbb: {  	v55 =	vld [tilespmem:s16+$0x4000];
	s17 =	sor.u32 $0x2380, s14;
	v22 =	vmax.f32 v50, v12;
	v28 =	vsel vm12, v53, v28;
	vm5 =	vgt.f32 v36, v21  }
0xbc: {  	v38 =	vld [tilespmem:s17+$0x0];
	v40 =	vmin.f32 v36, v21;
	v58 =	vmax.f32 v36, v21;
	(erf) = vpow2.f32 v18  }
0xbd: {  	v57 =	vld [tilespmem:s17+$0x4000];
	vm15 =	vgt.f32 v61, v27;
	v17 =	vmax.f32 v61, v27;
	v9 =	vsel vm5, v52, v46  }
0xbe: {  	v21 =	vmax.f32 v40, v51;
	vm3 =	vgt.f32 v54, v58;
	v36 =	vmin.f32 v54, v58  }
0xbf: {  	v60 =	vmax.f32 v54, v58;
	vm14 =	vgt.f32 v40, v51;
	v51 =	vmin.f32 v61, v27  }
0xc0: {  	v59 =	vld [tilespmem:s31+$0x4000];
	v53 =	vnsel vm5, $0xD, v13;
	v54 =	vnsel vm15, $0xD, v37;
	v8 =	vsel vm3, v55, v9  }
0xc1: {  	v25 =	vmax.f32 v36, v21;
	vm2 =	vgt.f32 v38, v60;
	v41 =	vmin.f32 v38, v60  }
0xc2: {  	v13 =	vsel vm5, $0xD, v13;
	v9 =	vsel vm2, v57, v8;
	v10 =	vmax.f32 v41, v25  }
0xc3: {  	v8 =	vmax.f32 v38, v60;
	v11 =	vand.u32 $0xFFFFFFFC, v9;
	v12 =	vand.u32 $0xFFFFFFFC, v10  }
0xc4: {  	s14 =	sor.u32 $0x2300, s11;
	v62 =	vld [tilespmem:s30+$0x4000];
	v37 =	vsel vm15, $0xD, v37;
	v38 =	vand.u32 $0xFFFFFFFC, v8;
	v42 =	vmax.f32 v11, v12  }
0xc5: {  	v1 =	vshll.u32 v1, $0x4;
	v31 =	vsel vm6, v59, v31;
	v49 =	vld [tilespmem:s14+$0x0];
	v38 =	vsub.f32 v42, v38;
	v18 =	vpop (erf)  }
0xc6: {  	s15 =	sor.u32 $0x2380, s11;
	v50 =	vld [tilespmem:s14+$0x4000];
	vm12 =	vgt.f32 v51, v22;
	v19 =	vsel vm14, v53, v19;
	v47 =	vadd.f32 $1.000000000e+00, v18  }
0xc7: {  	v52 =	vld [tilespmem:s15+$0x0];
	v22 =	vmax.f32 v51, v22;
	vm14 =	vgt.f32 v36, v21;
	v38 =	vmul.f32 $1.442695020e+00, v38  }
0xc8: {  	v43 =	vld [tilespmem:s15+$0x4000];
	v4 =	vshll.u32 v4, $0x4;
	v5 =	vshll.u32 v5, $0x4;
	(erf) = vrcp.f32 v47  }
0xc9: {  	s31 =	sor.u32 $0x2280, s29;
	v48 =	vsel vm4, $0xD, v33;
	v33 =	vnsel vm4, $0xD, v33;
	(erf) = vpow2.f32 v38  }
0xca: {  	v63 =	vld [tilespmem:s31+$0x0];
	v20 =	vsel vm13, v33, v20;
	v16 =	vsel vm15, v62, v29;
	vm6 =	vgt.f32 v49, v17  }
0xcb: {  	v55 =	vmin.f32 v49, v17;
	v17 =	vmax.f32 v49, v17;
	v16 =	vsel vm6, v50, v16  }
0xcc: {  	v29 =	vmax.f32 v55, v22;
	vm4 =	vgt.f32 v52, v17;
	v33 =	vmin.f32 v52, v17  }
0xcd: {  	v1 =	vand.u32 $0x30, v1;
	v40 =	vmax.f32 v33, v29;
	v38 =	vsel vm4, v43, v16  }
0xce: {  	v56 =	vld [tilespmem:s31+$0x4000];
	v34 =	vmax.f32 v52, v17;
	v17 =	vand.u32 $0xFFFFFFFC, v40;
	v16 =	vand.u32 $0xFFFFFFFC, v38  }
0xcf: {  	v28 =	vsel vm12, v54, v28;
	vm8 =	vgt.f32 v63, v26;
	v45 =	vmax.f32 v16, v17  }
0xd0: {  	v57 =	vmin.f32 v63, v26;
	v23 =	vmax.f32 v63, v26;
	v4 =	vand.u32 $0x30, v4  }
0xd1: {  	v5 =	vand.u32 $0x30, v5;
	vm7 =	veq.f32 v2, v3;
	v44 =	vand.u32 $0xFFFFFFFC, v34;
	v43 =	vpop (erf)  }
0xd2: {  	vm9 =	vgt.f32 v57, v32;
	v46 =	vnsel vm8, $0xD, v39;
	v44 =	vsub.f32 v45, v44;
	v45 =	vpop (erf)  }
0xd3: {  	s16 =	sor.u32 $0x2300, s29;
	v27 =	vsel vm8, v56, v31;
	v59 =	vmax.f32 v57, v32;
	v58 =	vadd.f32 $1.000000000e+00, v45  }
0xd4: {  	s17 =	sor.u32 $0x2380, s29;
	v60 =	vld [tilespmem:s16+$0x0];
	v39 =	vsel vm8, $0xD, v39;
	v10 =	vshll.u32 v10, $0x4;
	v61 =	vmul.f32 $1.442695020e+00, v44  }
0xd5: {  	v63 =	vld [tilespmem:s17+$0x0];
	v9 =	vshll.u32 v9, $0x4;
	v30 =	vsel vm9, v46, v30;
	(erf) = vrcp.f32 v58  }
0xd6: {  	vm13 =	vgt.f32 v15, v14;
	v46 =	vnsel vm3, $0xE, v13;
	v62 =	vld [tilespmem:s16+$0x4000];
	(erf) = vpow2.f32 v61  }
0xd7: {  	v35 =	vsel vm1, $0xE, v48;
	v13 =	vsel vm3, $0xE, v13;
	vm9 =	vgt.f32 v2, v3;
	v47 =	vld [tilespmem:s17+$0x4000]  }
0xd8: {  	vm10 =	vgt.f32 v11, v12;
	vm11 =	veq.f32 v11, v12;
	v10 =	vand.u32 $0x30, v10  }
0xd9: {  	v9 =	vand.u32 $0x30, v9;
	v19 =	vsel vm14, v46, v19;
	v49 =	vmin.f32 v60, v23  }
0xda: {  	vm5 =	vgt.f32 v60, v23;
	v23 =	vmax.f32 v60, v23;
	v51 =	vmax.f32 v49, v59  }
0xdb: {  	vm12 =	vgt.f32 v63, v23;
	v52 =	vmin.f32 v63, v23;
	v50 =	vsel vm5, v62, v27  }
0xdc: {  	vm15 =	vgt.f32 v55, v22;
	v22 =	vmax.f32 v52, v51;
	v21 =	vsel vm12, v47, v50  }
0xdd: {  	v14 =	vmax.f32 v63, v23;
	v26 =	vand.u32 $0xFFFFFFFC, v22;
	v23 =	vand.u32 $0xFFFFFFFC, v21  }
0xde: {  	vm14 =	vgt.f32 v7, v6;
	v55 =	vand.u32 $0xFFFFFFFC, v14;
	v56 =	vmax.f32 v23, v26;
	v54 =	vpop (erf)  }
0xdf: {  	v53 =	vnsel vm5, $0xE, v39;
	v44 =	vnsel vm1, $0xE, v48;
	v58 =	vsub.f32 v56, v55;
	v31 =	vpop (erf)  }
0xe0: {  	v15 =	vsel vm13, v44, v20;
	vm13 =	vgt.f32 v49, v59;
	v59 =	vadd.f32 $1.000000000e+00, v31  }
0xe1: {  	v60 =	vsel vm6, $0xE, v37;
	v63 =	vnsel vm2, $0xF, v13;
	v61 =	vmul.f32 $1.442695020e+00, v58  }
0xe2: {  	v13 =	vsel vm2, $0xF, v13;
	v62 =	vnsel vm0, $0xF, v35;
	(erf) = vrcp.f32 v59  }
0xe3: {  	v35 =	vsel vm0, $0xF, v35;
	v36 =	vnsel vm4, $0xF, v60;
	(erf) = vpow2.f32 v61  }
0xe4: {  	vm8 =	vgt.f32 v52, v51;
	v4 =	vadd.s32 v35, v4;
	v1 =	vadd.s32 v35, v1  }
0xe5: {  	v50 =	vadd.s32 v13, v9;
	v48 =	vnsel vm6, $0xE, v37;
	vm6 =	vgt.f32 v33, v29  }
0xe6: {  	v20 =	vsel vm15, v48, v28;
	vm15 =	vgt.f32 v41, v25;
	v41 =	vsel vm5, $0xE, v39  }
0xe7: {  	v44 =	vsel vm4, $0xF, v60;
	v49 =	vshll.u32 v8, $0x4;
	v60 =	vshll.u32 v21, $0x4  }
0xe8: {  	v57 =	vsel vm13, v53, v30;
	v15 =	vsel vm14, v62, v15;
	v6 =	vsel vm15, v63, v19  }
0xe9: {  	v2 =	vnsel vm12, $0xF, v41;
	v51 =	vsel vm12, $0xF, v41;
	vm12 =	veq.f32 v16, v17  }
0xea: {  	vm13 =	vgt.f32 v16, v17;
	v5 =	vadd.s32 v15, v5;
	v46 =	vmul.f32 v43, v18  }
0xeb: {  	v15 =	vsel vm6, v36, v20;
	v6 =	vadd.s32 v6, v10;
	v37 =	vmin.u32 v4, v5;
	[tilespmem:s22+$0x0] =	vst v43;
	v42 =	vpop (erf)  }
0xec: {  	v2 =	vsel vm8, v2, v57;
	v52 =	vmin.u32 v50, v6;
	v5 =	vsel vm7, v37, v5;
	[tilespmem:s21+$0x0] =	vst v46;
	v47 =	vpop (erf)  }
0xed: {  	s29 =	sand.u32 $0x380, s23;
	v3 =	vsel vm9, v4, v5;
	[tilespmem:s20+$0x0] =	vst v1;
	v1 =	vand.u32 $0x30, v49;
	v48 =	vadd.f32 $1.000000000e+00, v47  }
0xee: {  	s30 =	sor.u32 s29, s28;
	v55 =	vshll.u32 v40, $0x4;
	v56 =	vshll.u32 v34, $0x4;
	[tilespmem:s19+$0x0] =	vst v3;
	v1 =	vadd.s32 v13, v1  }
0xef: {  	v53 =	vmul.f32 v54, v45;
	[tilespmem:s30+$0x8000] =	vst v54;
	v54 =	vshll.u32 v38, $0x4;
	(erf) = vrcp.f32 v48  }
0xf0: {  	v3 =	vsel vm11, v52, v6;
	v8 =	vand.u32 $0x30, v55;
	v7 =	vand.u32 $0x30, v54  }
0xf1: {  	v3 =	vsel vm10, v50, v3;
	[tilespmem:s30+$0x8800] =	vst v1;
	v58 =	vadd.s32 v15, v8;
	v57 =	vadd.s32 v44, v7  }
0xf2: {  	v4 =	vand.u32 $0x30, v60;
	v1 =	vand.u32 $0x30, v56;
	[tilespmem:s30+$0x8C00] =	vst v3;
	v3 =	vmin.u32 v57, v58  }
0xf3: {  	s31 =	sor.u32 s29, s26;
	v1 =	vadd.s32 v44, v1;
	[tilespmem:s30+$0x8400] =	vst v53;
	v3 =	vsel vm12, v3, v58;
	v61 =	vshll.u32 v22, $0x4  }
0xf4: {  	[tilespmem:s31+$0x8800] =	vst v1;
	v1 =	vshll.u32 v14, $0x4;
	v3 =	vsel vm13, v57, v3;
	v5 =	vand.u32 $0x30, v61  }
0xf5: {  	[tilespmem:s31+$0x8C00] =	vst v3;
	v3 =	vadd.s32 v51, v4;
	v2 =	vadd.s32 v2, v5;
	v59 =	vmul.f32 v42, v31  }
0xf6: {  	p1 =	sne.s32 s24, $0x1E00;
	vm14 =	veq.f32 v23, v26;
	v1 =	vand.u32 $0x30, v1;
	v5 =	vmin.u32 v3, v2;
	[tilespmem:s31+$0x8000] =	vst v42  }
.Ltmp0:
0xf7: {  	s0 =	sor.u32 s29, s25;
	vm15 =	vgt.f32 v23, v26;
	v1 =	vadd.s32 v51, v1;
	v2 =	vsel vm14, v5, v2;
	[tilespmem:s31+$0x8400] =	vst v59;
	(pc) =	sbr.rel @p1 .LBB2_2-.Ltmp0, $4  }
0xf8: {  	v2 =	vsel vm15, v3, v2;
	[tilespmem:s0+$0x8800] =	vst v1;
	v62 =	vpop (erf)  }
0xf9: {  	p0 =	por !p0, !p0;
	[tilespmem:s0+$0x8C00] =	vst v2;
	v63 =	vmul.f32 v62, v47  }
0xfa: {  	s24 =	sadd.s32 $0x200, s24;
	s23 =	sadd.s32 $0x40, s23;
	s22 =	sadd.s32 $0x40, s22;
	[tilespmem:s0+$0x8000] =	vst v62  }
0xfb: {  	s21 =	sadd.s32 $0x40, s21;
	s20 =	sadd.s32 $0x40, s20;
	s19 =	sadd.s32 $0x40, s19;
	[tilespmem:s0+$0x8400] =	vst v63  }
0xfc: {  	s0 =	simm.s32 $0x8000  }
0xfd: {  	[hbm4b:s5+s12] =	stream.strided.scatter [tilespmem:s0], [sflag:$0x1], $0x400, s13, s12, $0x38;
	[tilespmem:$0x9000] =	vst v63  }
0xfe: {  	_ =	swait.ge [sflag:s10], $0x400  }
0xff: {  	[sflag:s10] =	ssyncset.done $0x0  }
0x100: {  	s29 =	simm.s32 $0x8400;
	[sflag:s10] =	ssyncadd.s32 $0xFFFFFC00  }
0x101: {  	[hbm4b:s6+s12] =	stream.strided.scatter [tilespmem:s29], [sflag:$0x1], $0x400, s13, s12, $0x38;
	[tilespmem:$0x9000] =	vst v63  }
0x102: {  	_ =	swait.ge [sflag:s10], $0x400  }
0x103: {  	[sflag:s10] =	ssyncset.done $0x0  }
0x104: {  	s30 =	simm.s32 $0x8800;
	[sflag:s10] =	ssyncadd.s32 $0xFFFFFC00  }
0x105: {  	[hbm4b:s7+s12] =	stream.strided.scatter [tilespmem:s30], [sflag:$0x1], $0x400, s13, s12, $0x38;
	[tilespmem:$0x9000] =	vst v63  }
0x106: {  	s18 =	sadd.s32 $0x1, s18;
	_ =	swait.ge [sflag:s10], $0x400  }
0x107: {  	p0 =	sne.s32 s18, s9;
	[sflag:s10] =	ssyncset.done $0x0  }
.Ltmp1:
0x108: {  	s31 =	simm.s32 $0x8C00;
	[sflag:s10] =	ssyncadd.s32 $0xFFFFFC00;
	(pc) =	sbr.rel @p0 .LBB2_1-.Ltmp1, $4  }
0x109: {  	[hbm4b:s8+s12] =	stream.strided.scatter [tilespmem:s31], [sflag:$0x1], $0x400, s13, s12, $0x38;
	[tilespmem:$0x9000] =	vst v63  }
0x10a: {  	_ =	swait.ge [sflag:s10], $0x400  }
0x10b: {  	[sflag:s10] =	ssyncset.done $0x0  }
0x10c: {  	[sflag:s10] =	ssyncadd.s32 $0xFFFFFC00  }
0x10d: {  	_ =	sfence.sel $0x180000  }
0x10e: {  	[bflag:$0x0] =	sbarrier.arrive $0xFFFF  }
0x10f: {  	_ =	strace $0x90000047  }
0x110: {  	s0 =	stileid.u32;
	[bflag:$0x2] =	sbarrier.arrive $0xFFFF  }
0x111: {  	p0 =	sne.s32 s0, $0x0;
	s0 =	rddreg [dreg:$0x3]  }
0x112: {  	s0 =	sadd.s32 @!p0 $0x100000, s0  }
0x113: {  	[sflag:s0] =	ssyncadd.tile.s32 @!p0 $0x1;
	_ =	shalt  }
.Lfunc_end2:
_tile_overlayer_lowered:
.L_overlay_start_2:
0x114: {  	(tag) =	ssettag $0x2  }
0x115: {  	s0 =	rddreg [dreg:$0x0];
	s2 =	stileid.u32  }
0x116: {  	s1 =	rddreg [dreg:$0x1];
	p0 =	sne.s32 s2, $0x0  }
0x117: {  	s3 =	rddreg [dreg:$0x2];
	[bflag:$0x3] =	sbarrier.arrive $0xFFFF;
	s2 =	simm.s32 @!p0 $0x1C01  }
0x118: {  	[timem:s3], [sflag:s2] =	dma.local @!p0 [hbm:s0], s1  }
0x119: {  	s0 =	simm.s32 @!p0 $0x1  }
0x11a: {  	_ =	swait.ge @!p0 [sflag:s0], s1  }
0x11b: {  	s1 =	ssub.s32 @!p0 $0x0, s1;
	[sflag:s0] =	ssyncset.done @!p0 $0x0  }
0x11c: {  	[sflag:s0] =	ssyncadd.s32 @!p0 s1  }
0x11d: {  	[bflag:$0x3] =	sbarrier.arrive $0xFFFF  }
0x11e: {  	_ =	shalt  }

</sc_bundles>
